<compile_context>
chip_gen: v7x
topology: tpu7x:2x2x1
jax: 0.10.2.dev20260603
libtpu: 0.0.44.dev20260713+nightly
codegen_flags: <defaults>
</compile_context>

<pallas_src>
import functools

import jax
import jax.numpy as jnp
from jax import lax
from jax.experimental import pallas as pl
from jax.experimental.pallas import tpu as pltpu
from jax.experimental.pallas import tpu_sc as plsc

L, B, T, D = 3, 4, 2048, 2048
C = 1024
S = L * B
LANES = 16

D_SC = 1024
ND = 8
DC = D_SC // ND
NT = 8
TCH = C // NT
NVREG = DC // LANES
UNROLL = 2

_info = plsc.get_sparse_core_info()
NC = _info.num_cores
NS = _info.num_subcores
NW = NC * NS
ITEMS_PER_W = (S * ND) // NW


@functools.partial(
    pl.kernel,
    mesh=plsc.VectorSubcoreMesh(core_axis_name="c", subcore_axis_name="s"),
    out_type=jax.ShapeDtypeStruct((S, 1, D_SC), jnp.float32),
    scratch_types=[
        pltpu.VMEM((TCH, DC), jnp.float32),
        pltpu.VMEM((TCH, DC), jnp.float32),
        pltpu.VMEM((C,), jnp.float32),
        pltpu.VMEM((DC,), jnp.float32),
        pltpu.SemaphoreType.DMA,
        pltpu.SemaphoreType.DMA,
        pltpu.SemaphoreType.DMA,
    ],
    compiler_params=pltpu.CompilerParams(needs_layout_passes=False),
)
def _sc_pool(skip_hbm, mask_hbm, pooled_hbm,
             xbuf0, xbuf1, wbuf, accbuf, sem0, sem1, semw):
    wid = lax.axis_index("s") * NC + lax.axis_index("c")

    def chunk_dma(s, d0, g, buf, sem):
        return pltpu.async_copy(
            skip_hbm.at[s, pl.ds(T - C + g * TCH, TCH), pl.ds(d0, DC)],
            buf, sem)

    def compute_chunk(buf, tb, acc):
        def tstep(it, a):
            t0 = it * UNROLL
            for u in range(UNROLL):
                t = t0 + u
                wsplat = plsc.load_gather(
                    wbuf, [jnp.full((LANES,), tb + t, jnp.int32)])
                a = tuple(
                    a[j] + buf[t, pl.ds(j * LANES, LANES)] * wsplat
                    for j in range(NVREG))
            return a

        return lax.fori_loop(0, TCH // UNROLL, tstep, acc)

    def item_body(k, _):
        item = wid * ITEMS_PER_W + k
        s = item // ND
        d0 = (item % ND) * DC

        pltpu.async_copy(
            mask_hbm.at[s, 0, pl.ds(T - C, C)], wbuf, semw).wait()
        chunk_dma(s, d0, 0, xbuf0, sem0)

        def mask_red(i, macc):
            return macc + wbuf[pl.ds(i * LANES, LANES)]

        macc = lax.fori_loop(0, C // LANES, mask_red,
                             jnp.zeros((LANES,), jnp.float32))
        accbuf[pl.ds(0, LANES)] = plsc.cumsum(macc)
        msum = plsc.load_gather(
            accbuf, [jnp.full((LANES,), LANES - 1, jnp.int32)])
        zero_sum = msum == 0.0
        scale = jnp.where(zero_sum, 0.0, 1.0 / (msum + 1e-8))
        shift = jnp.where(zero_sum, 1.0 / C, 0.0)

        def mask_xform(i, _):
            sl = pl.ds(i * LANES, LANES)
            wbuf[sl] = wbuf[sl] * scale + shift
            return 0

        lax.fori_loop(0, C // LANES, mask_xform, 0)

        def pair_body(p, acc):
            tb = 2 * p * TCH
            chunk_dma(s, d0, 2 * p + 1, xbuf1, sem1)
            pltpu.make_async_copy(
                skip_hbm.at[s, pl.ds(T - C, TCH), pl.ds(d0, DC)],
                xbuf0, sem0).wait()
            acc = compute_chunk(xbuf0, tb, acc)

            @pl.when(p < NT // 2 - 1)
            def _():
                chunk_dma(s, d0, 2 * p + 2, xbuf0, sem0)

            pltpu.make_async_copy(
                skip_hbm.at[s, pl.ds(T - C, TCH), pl.ds(d0, DC)],
                xbuf1, sem1).wait()
            return compute_chunk(xbuf1, tb + TCH, acc)

        acc = tuple(jnp.zeros((LANES,), jnp.float32) for _ in range(NVREG))
        acc = lax.fori_loop(0, NT // 2, pair_body, acc)

        for j in range(NVREG):
            accbuf[pl.ds(j * LANES, LANES)] = acc[j]
        pltpu.async_copy(
            accbuf, pooled_hbm.at[s, 0, pl.ds(d0, DC)], semw).wait()
        return 0

    lax.fori_loop(0, ITEMS_PER_W, item_body, 0)


DCT = 512


def _tc_body(skip_ref, mask_ref, out_ref, mout_ref):
    m = mask_ref[0, 0, T - C:]
    msum = jnp.sum(m)
    zero_sum = msum == 0.0
    scale = jnp.where(zero_sum, 0.0, 1.0 / (msum + 1e-8))
    shift = jnp.where(zero_sum, 1.0 / C, 0.0)
    w = m * scale + shift
    out_ref[0, 0, :] = jnp.sum(skip_ref[0] * w[:, None], axis=0)
    mout_ref[...] = jnp.broadcast_to(jnp.max(m), (1, 1, 1))


def _tc_pool(skip_flat, mask3, d_lo, d_width):
    nj = d_width // DCT
    return pl.pallas_call(
        _tc_body,
        grid=(S, nj),
        in_specs=[
            pl.BlockSpec((1, C, DCT),
                         lambda s, j: (s, 1, d_lo // DCT + j)),
            pl.BlockSpec((1, 1, T), lambda s, j: (s, 0, 0)),
        ],
        out_specs=[
            pl.BlockSpec((1, 1, DCT), lambda s, j: (s, 0, j)),
            pl.BlockSpec((1, 1, 1), lambda s, j: (s, 0, 0)),
        ],
        out_shape=[
            jax.ShapeDtypeStruct((S, 1, d_width), jnp.float32),
            jax.ShapeDtypeStruct((S, 1, 1), jnp.float32),
        ],
    )(skip_flat, mask3)


def kernel(skip_list, mask_list):
    skip_flat = skip_list.reshape(S, T, D)
    mask3 = mask_list.reshape(S, 1, T)
    pooled_sc = _sc_pool(skip_flat, mask3)
    pooled_tc, mout = _tc_pool(skip_flat, mask3, D_SC, D - D_SC)
    pooled = jnp.concatenate([pooled_sc, pooled_tc], axis=-1)
    return (pooled.reshape(L, B, 1, D), mout.reshape(L, B, 1, 1))

# --- scband reference (transcript-rebuilt; emitter-appended) ---
"""Pipeline reference for scband-skipsum-extraction-block-6768868458659 (READ-ONLY COPY).

The authoritative reference and input builder live on the scoring server;
editing this copy changes nothing except your own understanding.
"""

import jax, jax.numpy as jnp
import numpy as np

L, B, T, D = 3, 4, 2048, 2048
CONTEXT_LENGTH = 1024


def setup_inputs(seed: int = 0) -> dict:
    key = jax.random.key(seed)
    k1, k2 = jax.random.split(key)
    skip_list = jax.random.normal(k1, (L, B, T, D), dtype=jnp.float32)
    # mask in [0,1); treated as soft mask weights (binary-like masks also supported by same math)
    mask_list = jax.random.uniform(k2, (L, B, T, 1), dtype=jnp.float32)
    return {"skip_list": skip_list, "mask_list": mask_list}


def _extract(data, mask):
    # Faithful to SumExtractionBlock.forward in eval mode (training=False branch):
    # take the last context_length steps, masked mean-pool over time.
    C = min(CONTEXT_LENGTH, data.shape[1])
    d = data[:, -C:, :]
    m = mask[:, -C:, :]
    msum = m.sum(axis=1)                        # [B, 1]
    weighted = (d * m).sum(axis=1) / (msum + 1e-8)  # [B, D]
    pooled = jnp.where(msum == 0, d.mean(axis=1), weighted)  # [B, D]
    pooled = pooled[:, None, :]                 # [B, 1, D]
    out_mask = m.max(axis=1)[:, None, :]        # [B, 1, 1]
    return pooled, out_mask


def reference(skip_list, mask_list):
    # SkipsumExtractionBlock: apply extraction to each (skip, mask) pair in the list.
    out_skips, out_masks = [], []
    for i in range(skip_list.shape[0]):
        s, m = _extract(skip_list[i], mask_list[i])
        out_skips.append(s)
        out_masks.append(m)
    return (jnp.stack(out_skips, axis=0), jnp.stack(out_masks, axis=0))

if __name__ == "__main__":
    import jax
    _d = setup_inputs()
    print(jax.jit(kernel)(*tuple(_d.values())))

</pallas_src>

<mosaic_0001>
#map = affine_map<(d0, d1) -> (0, 0, 0)>
module attributes {stable_mosaic.version = 14 : i64} {
  func.func @_sc_pool(%arg0: i32, %arg1: i32, %arg2: memref<12x2048x2048xf32, #tpu.memory_space<hbm>>, %arg3: memref<12x1x2048xf32, #tpu.memory_space<hbm>>, %arg4: memref<12x1x1024xf32, #tpu.memory_space<hbm>>, %arg5: memref<128x128xf32, #tpu.memory_space<vmem>>, %arg6: memref<128x128xf32, #tpu.memory_space<vmem>>, %arg7: memref<1024xf32, #tpu.memory_space<vmem>>, %arg8: memref<128xf32, #tpu.memory_space<vmem>>, %arg9: memref<!tpu.dma_semaphore, #tpu.memory_space<semaphore_mem>>, %arg10: memref<!tpu.dma_semaphore, #tpu.memory_space<semaphore_mem>>, %arg11: memref<!tpu.dma_semaphore, #tpu.memory_space<semaphore_mem>>) attributes {dimension_semantics = [#tpu.dimension_semantics<core_parallel>, #tpu.dimension_semantics<subcore_parallel>], iteration_bounds = array<i64: 2, 16>, scalar_prefetch = 0 : i64, scratch_operands = 7 : i64, tpu.core_type = #tpu.core_type<sc_vector_subcore>, window_params = [{transform_indices = #map}, {transform_indices = #map}, {transform_indices = #map}]} {
    %mul3A = arith.constant 2 : i32
    %mul3A_0 = arith.muli %arg1, %mul3A : i32
    %add3A = arith.addi %mul3A_0, %arg0 : i32
    %scan3A = arith.constant 0 : i32
    %scan3A_1 = arith.constant 0 : i32
    %scan3A_2 = arith.constant 3 : i32
    %scan3A_3 = arith.addi %scan3A_1, %scan3A_2 : i32
    %scan3A_4 = arith.constant 1 : i32
    %scan3A_5 = scf.for %scan3A_7 = %scan3A_1 to %scan3A_3 step %scan3A_4 iter_args(%scan3A_8 = %scan3A) -> (i32)  : i32 {
      %mul3A_9 = arith.constant 3 : i32
      %mul3A_10 = arith.muli %add3A, %mul3A_9 : i32
      %add3A_11 = arith.addi %mul3A_10, %scan3A_7 : i32
      %jit3A = arith.constant 8 : i32
      %div3A = arith.divsi %add3A_11, %jit3A : i32
      %sign3A = arith.constant 0 : i32
      %sign3A_12 = arith.cmpi sgt, %add3A_11, %sign3A : i32
      %sign3A_13 = arith.extui %sign3A_12 : i1 to i32
      %sign3A_14 = arith.constant 0 : i32
      %sign3A_15 = arith.cmpi slt, %add3A_11, %sign3A_14 : i32
      %sign3A_16 = arith.extui %sign3A_15 : i1 to i32
      %sign3A_17 = arith.subi %sign3A_13, %sign3A_16 : i32
      %sign3A_18 = arith.constant 0 : i32
      %sign3A_19 = arith.cmpi sgt, %jit3A, %sign3A_18 : i32
      %sign3A_20 = arith.extui %sign3A_19 : i1 to i32
      %sign3A_21 = arith.constant 0 : i32
      %sign3A_22 = arith.cmpi slt, %jit3A, %sign3A_21 : i32
      %sign3A_23 = arith.extui %sign3A_22 : i1 to i32
      %sign3A_24 = arith.subi %sign3A_20, %sign3A_23 : i32
      %ne3A = arith.cmpi ne, %sign3A_17, %sign3A_24 : i32
      %rem3A = arith.remsi %add3A_11, %jit3A : i32
      %ne3A_25 = arith.constant 0 : i32
      %ne3A_26 = arith.cmpi ne, %rem3A, %ne3A_25 : i32
      %and3A = arith.andi %ne3A, %ne3A_26 : i1
      %sub3A = arith.constant 1 : i32
      %sub3A_27 = arith.subi %div3A, %sub3A : i32
      %select_n3A = arith.select %and3A, %sub3A_27, %div3A : i32
      %jit3A_28 = arith.constant 8 : i32
      %eq3A = arith.constant 0 : i32
      %eq3A_29 = arith.cmpi eq, %jit3A_28, %eq3A : i32
      %jit3A_30 = arith.constant 1 : i32
      %select_n3A_31 = arith.select %eq3A_29, %jit3A_30, %jit3A_28 : i32
      %rem3A_32 = arith.remsi %add3A_11, %select_n3A_31 : i32
      %ne3A_33 = arith.constant 0 : i32
      %ne3A_34 = arith.cmpi ne, %rem3A_32, %ne3A_33 : i32
      %lt3A = arith.constant 0 : i32
      %lt3A_35 = arith.cmpi slt, %rem3A_32, %lt3A : i32
      %lt3A_36 = arith.constant 0 : i32
      %lt3A_37 = arith.cmpi slt, %select_n3A_31, %lt3A_36 : i32
      %ne3A_38 = arith.xori %lt3A_35, %lt3A_37 : i1
      %and3A_39 = arith.andi %ne3A_38, %ne3A_34 : i1
      %add3A_40 = arith.addi %rem3A_32, %select_n3A_31 : i32
      %select_n3A_41 = arith.select %and3A_39, %add3A_40, %rem3A_32 : i32
      %mul3A_42 = arith.constant 128 : i32
      %mul3A_43 = arith.muli %select_n3A_41, %mul3A_42 : i32
      %dma_start3A = arith.constant 0 : i32
      %dma_start3A_44 = arith.constant 1024 : i32
      %dma_start3A_45 = tpu.memref_slice %arg3[%select_n3A, %dma_start3A, %dma_start3A_44] : memref<12x1x2048xf32, #tpu.memory_space<hbm>> -> memref<1x1x1024xf32, #tpu.memory_space<hbm>>
      %dma_start3A_46 = tpu.memref_squeeze %dma_start3A_45 : memref<1x1x1024xf32, #tpu.memory_space<hbm>> -> memref<1024xf32, #tpu.memory_space<hbm>>
      %dma_start3A_47 = arith.constant 1024 : i32
      %dma_start3A_48 = tpu.memref_slice %arg3[%select_n3A, %dma_start3A, %dma_start3A_47] : memref<12x1x2048xf32, #tpu.memory_space<hbm>> -> memref<1x1x1024xf32, #tpu.memory_space<hbm>>
      %dma_start3A_49 = tpu.memref_squeeze %dma_start3A_48 : memref<1x1x1024xf32, #tpu.memory_space<hbm>> -> memref<1024xf32, #tpu.memory_space<hbm>>
      tpu.enqueue_dma source(%dma_start3A_49 : memref<1024xf32, #tpu.memory_space<hbm>>) target(%arg7 : memref<1024xf32, #tpu.memory_space<vmem>>) target_semaphore(%arg11 : memref<!tpu.dma_semaphore, #tpu.memory_space<semaphore_mem>>)
      %dma_wait3A = arith.constant 0 : i32
      %dma_wait3A_50 = arith.constant 1024 : i32
      %dma_wait3A_51 = tpu.memref_slice %arg3[%select_n3A, %dma_wait3A, %dma_wait3A_50] : memref<12x1x2048xf32, #tpu.memory_space<hbm>> -> memref<1x1x1024xf32, #tpu.memory_space<hbm>>
      %dma_wait3A_52 = tpu.memref_squeeze %dma_wait3A_51 : memref<1x1x1024xf32, #tpu.memory_space<hbm>> -> memref<1024xf32, #tpu.memory_space<hbm>>
      %dma_wait3A_53 = arith.constant 1024 : i32
      %dma_wait3A_54 = tpu.memref_slice %arg3[%select_n3A, %dma_wait3A, %dma_wait3A_53] : memref<12x1x2048xf32, #tpu.memory_space<hbm>> -> memref<1x1x1024xf32, #tpu.memory_space<hbm>>
      %dma_wait3A_55 = tpu.memref_squeeze %dma_wait3A_54 : memref<1x1x1024xf32, #tpu.memory_space<hbm>> -> memref<1024xf32, #tpu.memory_space<hbm>>
      tpu.wait_dma2 semaphore(%arg11 : memref<!tpu.dma_semaphore, #tpu.memory_space<semaphore_mem>>) src(%dma_wait3A_55 : memref<1024xf32, #tpu.memory_space<hbm>>) dst(%arg7 : memref<1024xf32, #tpu.memory_space<vmem>>)
      %dma_start3A_56 = arith.constant 1024 : i32
      %dma_start3A_57 = tpu.memref_slice %arg2[%select_n3A, %dma_start3A_56, %mul3A_43] : memref<12x2048x2048xf32, #tpu.memory_space<hbm>> -> memref<1x128x128xf32, #tpu.memory_space<hbm>>
      %dma_start3A_58 = tpu.memref_squeeze %dma_start3A_57 : memref<1x128x128xf32, #tpu.memory_space<hbm>> -> memref<128x128xf32, #tpu.memory_space<hbm>>
      %dma_start3A_59 = arith.constant 1024 : i32
      %dma_start3A_60 = tpu.memref_slice %arg2[%select_n3A, %dma_start3A_59, %mul3A_43] : memref<12x2048x2048xf32, #tpu.memory_space<hbm>> -> memref<1x128x128xf32, #tpu.memory_space<hbm>>
      %dma_start3A_61 = tpu.memref_squeeze %dma_start3A_60 : memref<1x128x128xf32, #tpu.memory_space<hbm>> -> memref<128x128xf32, #tpu.memory_space<hbm>>
      tpu.enqueue_dma source(%dma_start3A_61 : memref<128x128xf32, #tpu.memory_space<hbm>>) target(%arg5 : memref<128x128xf32, #tpu.memory_space<vmem>>) target_semaphore(%arg9 : memref<!tpu.dma_semaphore, #tpu.memory_space<semaphore_mem>>)
      %broadcast_in_dim3A = arith.constant 0.000000e+00 : f32
      %broadcast_in_dim3A_62 = vector.broadcast %broadcast_in_dim3A : f32 to vector<16xf32>
      %scan3A_63 = arith.constant 0 : i32
      %scan3A_64 = arith.constant 64 : i32
      %scan3A_65 = arith.addi %scan3A_63, %scan3A_64 : i32
      %scan3A_66 = arith.constant 1 : i32
      %scan3A_67 = scf.for %scan3A_147 = %scan3A_63 to %scan3A_65 step %scan3A_66 iter_args(%scan3A_148 = %broadcast_in_dim3A_62) -> (vector<16xf32>)  : i32 {
        %mul3A_149 = arith.constant 16 : i32
        %mul3A_150 = arith.muli %scan3A_147, %mul3A_149 : i32
        %get3A = arith.index_cast %mul3A_150 : i32 to index
        %get3A_151 = tpu.vector_load %arg7[%get3A] {strides = array<i32>} : memref<1024xf32, #tpu.memory_space<vmem>>, vector<16xf32>,
        %add3A_152 = arith.addf %scan3A_148, %get3A_151 : vector<16xf32>
        scf.yield %add3A_152 : vector<16xf32>
      }
      %scan3A_68 = arith.constant 64 : i32
      %broadcast_in_dim3A_69 = arith.constant true
      %broadcast_in_dim3A_70 = vector.broadcast %broadcast_in_dim3A_69 : i1 to vector<16xi1>
      %masked_cumsum3A = tpu.scan <sum>, %scan3A_67 masked %broadcast_in_dim3A_70 : vector<16xf32>, vector<16xi1> -> vector<16xf32>
      %swap3A = arith.constant 0 : index
      %swap3A_71 = tpu.vector_load %arg8[%swap3A] {strides = array<i32>} : memref<128xf32, #tpu.memory_space<vmem>>, vector<16xf32>,
      tpu.vector_store %arg8[%swap3A], %masked_cumsum3A {strides = array<i32>} : memref<128xf32, #tpu.memory_space<vmem>>, vector<16xf32>,
      %broadcast_in_dim3A_72 = arith.constant 15 : i32
      %broadcast_in_dim3A_73 = vector.broadcast %broadcast_in_dim3A_72 : i32 to vector<16xi32>
      %gather3A = tpu.vector_load_idx %arg8[%broadcast_in_dim3A_73] : memref<128xf32, #tpu.memory_space<vmem>>[vector<16xi32>], vector<16xf32>,
      %eq3A_74 = arith.constant 0.000000e+00 : f32
      %eq3A_75 = vector.broadcast %eq3A_74 : f32 to vector<16xf32>
      %eq3A_76 = arith.cmpf oeq, %gather3A, %eq3A_75 : vector<16xf32>
      %add3A_77 = arith.constant 9.99999993E-9 : f32
      %add3A_78 = vector.broadcast %add3A_77 : f32 to vector<16xf32>
      %add3A_79 = arith.addf %gather3A, %add3A_78 : vector<16xf32>
      %div3A_80 = arith.constant 1.000000e+00 : f32
      %div3A_81 = vector.broadcast %div3A_80 : f32 to vector<16xf32>
      %div3A_82 = arith.divf %div3A_81, %add3A_79 : vector<16xf32>
      %jit3A_83 = arith.constant 0.000000e+00 : f32
      %broadcast_in_dim3A_84 = vector.broadcast %jit3A_83 : f32 to vector<16xf32>
      %select_n3A_85 = arith.select %eq3A_76, %broadcast_in_dim3A_84, %div3A_82 : vector<16xi1>, vector<16xf32>
      %jit3A_86 = arith.constant 9.765625E-4 : f32
      %jit3A_87 = arith.constant 0.000000e+00 : f32
      %broadcast_in_dim3A_88 = vector.broadcast %jit3A_86 : f32 to vector<16xf32>
      %broadcast_in_dim3A_89 = vector.broadcast %jit3A_87 : f32 to vector<16xf32>
      %select_n3A_90 = arith.select %eq3A_76, %broadcast_in_dim3A_88, %broadcast_in_dim3A_89 : vector<16xi1>, vector<16xf32>
      %scan3A_91 = arith.constant 0 : i32
      %scan3A_92 = arith.constant 0 : i32
      %scan3A_93 = arith.constant 64 : i32
      %scan3A_94 = arith.addi %scan3A_92, %scan3A_93 : i32
      %scan3A_95 = arith.constant 1 : i32
      %scan3A_96 = scf.for %scan3A_147 = %scan3A_92 to %scan3A_94 step %scan3A_95 iter_args(%scan3A_148 = %scan3A_91) -> (i32)  : i32 {
        %mul3A_149 = arith.constant 16 : i32
        %mul3A_150 = arith.muli %scan3A_147, %mul3A_149 : i32
        %get3A = arith.index_cast %mul3A_150 : i32 to index
        %get3A_151 = tpu.vector_load %arg7[%get3A] {strides = array<i32>} : memref<1024xf32, #tpu.memory_space<vmem>>, vector<16xf32>,
        %mul3A_152 = arith.mulf %get3A_151, %select_n3A_85 : vector<16xf32>
        %add3A_153 = arith.addf %mul3A_152, %select_n3A_90 : vector<16xf32>
        %swap3A_154 = arith.index_cast %mul3A_150 : i32 to index
        %swap3A_155 = tpu.vector_load %arg7[%swap3A_154] {strides = array<i32>} : memref<1024xf32, #tpu.memory_space<vmem>>, vector<16xf32>,
        tpu.vector_store %arg7[%swap3A_154], %add3A_153 {strides = array<i32>} : memref<1024xf32, #tpu.memory_space<vmem>>, vector<16xf32>,
        %scan3A_156 = arith.constant 0 : i32
        scf.yield %scan3A_156 : i32
      }
      %scan3A_97 = arith.constant 64 : i32
      %broadcast_in_dim3A_98 = arith.constant 0.000000e+00 : f32
      %broadcast_in_dim3A_99 = vector.broadcast %broadcast_in_dim3A_98 : f32 to vector<16xf32>
      %broadcast_in_dim3A_100 = arith.constant 0.000000e+00 : f32
      %broadcast_in_dim3A_101 = vector.broadcast %broadcast_in_dim3A_100 : f32 to vector<16xf32>
      %broadcast_in_dim3A_102 = arith.constant 0.000000e+00 : f32
      %broadcast_in_dim3A_103 = vector.broadcast %broadcast_in_dim3A_102 : f32 to vector<16xf32>
      %broadcast_in_dim3A_104 = arith.constant 0.000000e+00 : f32
      %broadcast_in_dim3A_105 = vector.broadcast %broadcast_in_dim3A_104 : f32 to vector<16xf32>
      %broadcast_in_dim3A_106 = arith.constant 0.000000e+00 : f32
      %broadcast_in_dim3A_107 = vector.broadcast %broadcast_in_dim3A_106 : f32 to vector<16xf32>
      %broadcast_in_dim3A_108 = arith.constant 0.000000e+00 : f32
      %broadcast_in_dim3A_109 = vector.broadcast %broadcast_in_dim3A_108 : f32 to vector<16xf32>
      %broadcast_in_dim3A_110 = arith.constant 0.000000e+00 : f32
      %broadcast_in_dim3A_111 = vector.broadcast %broadcast_in_dim3A_110 : f32 to vector<16xf32>
      %broadcast_in_dim3A_112 = arith.constant 0.000000e+00 : f32
      %broadcast_in_dim3A_113 = vector.broadcast %broadcast_in_dim3A_112 : f32 to vector<16xf32>
      %scan3A_114 = arith.constant 0 : i32
      %scan3A_115 = arith.constant 4 : i32
      %scan3A_116 = arith.addi %scan3A_114, %scan3A_115 : i32
      %scan3A_117 = arith.constant 1 : i32
      %scan3A_118:8 = scf.for %scan3A_147 = %scan3A_114 to %scan3A_116 step %scan3A_117 iter_args(%scan3A_148 = %broadcast_in_dim3A_99, %scan3A_149 = %broadcast_in_dim3A_101, %scan3A_150 = %broadcast_in_dim3A_103, %scan3A_151 = %broadcast_in_dim3A_105, %scan3A_152 = %broadcast_in_dim3A_107, %scan3A_153 = %broadcast_in_dim3A_109, %scan3A_154 = %broadcast_in_dim3A_111, %scan3A_155 = %broadcast_in_dim3A_113) -> (vector<16xf32>, vector<16xf32>, vector<16xf32>, vector<16xf32>, vector<16xf32>, vector<16xf32>, vector<16xf32>, vector<16xf32>)  : i32 {
        %mul3A_156 = arith.constant 2 : i32
        %mul3A_157 = arith.muli %mul3A_156, %scan3A_147 : i32
        %mul3A_158 = arith.constant 128 : i32
        %mul3A_159 = arith.muli %mul3A_157, %mul3A_158 : i32
        %mul3A_160 = arith.constant 2 : i32
        %mul3A_161 = arith.muli %mul3A_160, %scan3A_147 : i32
        %add3A_162 = arith.constant 1 : i32
        %add3A_163 = arith.addi %mul3A_161, %add3A_162 : i32
        %mul3A_164 = arith.constant 128 : i32
        %mul3A_165 = arith.muli %add3A_163, %mul3A_164 : i32
        %add3A_166 = arith.constant 1024 : i32
        %add3A_167 = arith.addi %add3A_166, %mul3A_165 : i32
        %dma_start3A_168 = tpu.memref_slice %arg2[%select_n3A, %add3A_167, %mul3A_43] : memref<12x2048x2048xf32, #tpu.memory_space<hbm>> -> memref<1x128x128xf32, #tpu.memory_space<hbm>>
        %dma_start3A_169 = tpu.memref_squeeze %dma_start3A_168 : memref<1x128x128xf32, #tpu.memory_space<hbm>> -> memref<128x128xf32, #tpu.memory_space<hbm>>
        %dma_start3A_170 = tpu.memref_slice %arg2[%select_n3A, %add3A_167, %mul3A_43] : memref<12x2048x2048xf32, #tpu.memory_space<hbm>> -> memref<1x128x128xf32, #tpu.memory_space<hbm>>
        %dma_start3A_171 = tpu.memref_squeeze %dma_start3A_170 : memref<1x128x128xf32, #tpu.memory_space<hbm>> -> memref<128x128xf32, #tpu.memory_space<hbm>>
        tpu.enqueue_dma source(%dma_start3A_171 : memref<128x128xf32, #tpu.memory_space<hbm>>) target(%arg6 : memref<128x128xf32, #tpu.memory_space<vmem>>) target_semaphore(%arg10 : memref<!tpu.dma_semaphore, #tpu.memory_space<semaphore_mem>>)
        %dma_wait3A_172 = arith.constant 1024 : i32
        %dma_wait3A_173 = tpu.memref_slice %arg2[%select_n3A, %dma_wait3A_172, %mul3A_43] : memref<12x2048x2048xf32, #tpu.memory_space<hbm>> -> memref<1x128x128xf32, #tpu.memory_space<hbm>>
        %dma_wait3A_174 = tpu.memref_squeeze %dma_wait3A_173 : memref<1x128x128xf32, #tpu.memory_space<hbm>> -> memref<128x128xf32, #tpu.memory_space<hbm>>
        %dma_wait3A_175 = arith.constant 1024 : i32
        %dma_wait3A_176 = tpu.memref_slice %arg2[%select_n3A, %dma_wait3A_175, %mul3A_43] : memref<12x2048x2048xf32, #tpu.memory_space<hbm>> -> memref<1x128x128xf32, #tpu.memory_space<hbm>>
        %dma_wait3A_177 = tpu.memref_squeeze %dma_wait3A_176 : memref<1x128x128xf32, #tpu.memory_space<hbm>> -> memref<128x128xf32, #tpu.memory_space<hbm>>
        tpu.wait_dma2 semaphore(%arg9 : memref<!tpu.dma_semaphore, #tpu.memory_space<semaphore_mem>>) src(%dma_wait3A_177 : memref<128x128xf32, #tpu.memory_space<hbm>>) dst(%arg5 : memref<128x128xf32, #tpu.memory_space<vmem>>)
        %scan3A_178 = arith.constant 0 : i32
        %scan3A_179 = arith.constant 64 : i32
        %scan3A_180 = arith.addi %scan3A_178, %scan3A_179 : i32
        %scan3A_181 = arith.constant 1 : i32
        %scan3A_182:8 = scf.for %scan3A_201 = %scan3A_178 to %scan3A_180 step %scan3A_181 iter_args(%scan3A_202 = %scan3A_148, %scan3A_203 = %scan3A_149, %scan3A_204 = %scan3A_150, %scan3A_205 = %scan3A_151, %scan3A_206 = %scan3A_152, %scan3A_207 = %scan3A_153, %scan3A_208 = %scan3A_154, %scan3A_209 = %scan3A_155) -> (vector<16xf32>, vector<16xf32>, vector<16xf32>, vector<16xf32>, vector<16xf32>, vector<16xf32>, vector<16xf32>, vector<16xf32>)  : i32 {
          %mul3A_210 = arith.constant 2 : i32
          %mul3A_211 = arith.muli %scan3A_201, %mul3A_210 : i32
          %add3A_212 = arith.constant 0 : i32
          %add3A_213 = arith.addi %mul3A_211, %add3A_212 : i32
          %add3A_214 = arith.addi %mul3A_159, %add3A_213 : i32
          %broadcast_in_dim3A_215 = vector.broadcast %add3A_214 : i32 to vector<16xi32>
          %gather3A_216 = tpu.vector_load_idx %arg7[%broadcast_in_dim3A_215] : memref<1024xf32, #tpu.memory_space<vmem>>[vector<16xi32>], vector<16xf32>,
          %get3A = arith.index_cast %add3A_213 : i32 to index
          %get3A_217 = arith.constant 0 : index
          %get3A_218 = tpu.vector_load %arg5[%get3A, %get3A_217] {strides = array<i32>} : memref<128x128xf32, #tpu.memory_space<vmem>>, vector<16xf32>,
          %mul3A_219 = arith.mulf %get3A_218, %gather3A_216 : vector<16xf32>
          %add3A_220 = arith.addf %scan3A_202, %mul3A_219 : vector<16xf32>
          %get3A_221 = arith.index_cast %add3A_213 : i32 to index
          %get3A_222 = arith.constant 16 : index
          %get3A_223 = tpu.vector_load %arg5[%get3A_221, %get3A_222] {strides = array<i32>} : memref<128x128xf32, #tpu.memory_space<vmem>>, vector<16xf32>,
          %mul3A_224 = arith.mulf %get3A_223, %gather3A_216 : vector<16xf32>
          %add3A_225 = arith.addf %scan3A_203, %mul3A_224 : vector<16xf32>
          %get3A_226 = arith.index_cast %add3A_213 : i32 to index
          %get3A_227 = arith.constant 32 : index
          %get3A_228 = tpu.vector_load %arg5[%get3A_226, %get3A_227] {strides = array<i32>} : memref<128x128xf32, #tpu.memory_space<vmem>>, vector<16xf32>,
          %mul3A_229 = arith.mulf %get3A_228, %gather3A_216 : vector<16xf32>
          %add3A_230 = arith.addf %scan3A_204, %mul3A_229 : vector<16xf32>
          %get3A_231 = arith.index_cast %add3A_213 : i32 to index
          %get3A_232 = arith.constant 48 : index
          %get3A_233 = tpu.vector_load %arg5[%get3A_231, %get3A_232] {strides = array<i32>} : memref<128x128xf32, #tpu.memory_space<vmem>>, vector<16xf32>,
          %mul3A_234 = arith.mulf %get3A_233, %gather3A_216 : vector<16xf32>
          %add3A_235 = arith.addf %scan3A_205, %mul3A_234 : vector<16xf32>
          %get3A_236 = arith.index_cast %add3A_213 : i32 to index
          %get3A_237 = arith.constant 64 : index
          %get3A_238 = tpu.vector_load %arg5[%get3A_236, %get3A_237] {strides = array<i32>} : memref<128x128xf32, #tpu.memory_space<vmem>>, vector<16xf32>,
          %mul3A_239 = arith.mulf %get3A_238, %gather3A_216 : vector<16xf32>
          %add3A_240 = arith.addf %scan3A_206, %mul3A_239 : vector<16xf32>
          %get3A_241 = arith.index_cast %add3A_213 : i32 to index
          %get3A_242 = arith.constant 80 : index
          %get3A_243 = tpu.vector_load %arg5[%get3A_241, %get3A_242] {strides = array<i32>} : memref<128x128xf32, #tpu.memory_space<vmem>>, vector<16xf32>,
          %mul3A_244 = arith.mulf %get3A_243, %gather3A_216 : vector<16xf32>
          %add3A_245 = arith.addf %scan3A_207, %mul3A_244 : vector<16xf32>
          %get3A_246 = arith.index_cast %add3A_213 : i32 to index
          %get3A_247 = arith.constant 96 : index
          %get3A_248 = tpu.vector_load %arg5[%get3A_246, %get3A_247] {strides = array<i32>} : memref<128x128xf32, #tpu.memory_space<vmem>>, vector<16xf32>,
          %mul3A_249 = arith.mulf %get3A_248, %gather3A_216 : vector<16xf32>
          %add3A_250 = arith.addf %scan3A_208, %mul3A_249 : vector<16xf32>
          %get3A_251 = arith.index_cast %add3A_213 : i32 to index
          %get3A_252 = arith.constant 112 : index
          %get3A_253 = tpu.vector_load %arg5[%get3A_251, %get3A_252] {strides = array<i32>} : memref<128x128xf32, #tpu.memory_space<vmem>>, vector<16xf32>,
          %mul3A_254 = arith.mulf %get3A_253, %gather3A_216 : vector<16xf32>
          %add3A_255 = arith.addf %scan3A_209, %mul3A_254 : vector<16xf32>
          %add3A_256 = arith.constant 1 : i32
          %add3A_257 = arith.addi %mul3A_211, %add3A_256 : i32
          %add3A_258 = arith.addi %mul3A_159, %add3A_257 : i32
          %broadcast_in_dim3A_259 = vector.broadcast %add3A_258 : i32 to vector<16xi32>
          %gather3A_260 = tpu.vector_load_idx %arg7[%broadcast_in_dim3A_259] : memref<1024xf32, #tpu.memory_space<vmem>>[vector<16xi32>], vector<16xf32>,
          %get3A_261 = arith.index_cast %add3A_257 : i32 to index
          %get3A_262 = arith.constant 0 : index
          %get3A_263 = tpu.vector_load %arg5[%get3A_261, %get3A_262] {strides = array<i32>} : memref<128x128xf32, #tpu.memory_space<vmem>>, vector<16xf32>,
          %mul3A_264 = arith.mulf %get3A_263, %gather3A_260 : vector<16xf32>
          %add3A_265 = arith.addf %add3A_220, %mul3A_264 : vector<16xf32>
          %get3A_266 = arith.index_cast %add3A_257 : i32 to index
          %get3A_267 = arith.constant 16 : index
          %get3A_268 = tpu.vector_load %arg5[%get3A_266, %get3A_267] {strides = array<i32>} : memref<128x128xf32, #tpu.memory_space<vmem>>, vector<16xf32>,
          %mul3A_269 = arith.mulf %get3A_268, %gather3A_260 : vector<16xf32>
          %add3A_270 = arith.addf %add3A_225, %mul3A_269 : vector<16xf32>
          %get3A_271 = arith.index_cast %add3A_257 : i32 to index
          %get3A_272 = arith.constant 32 : index
          %get3A_273 = tpu.vector_load %arg5[%get3A_271, %get3A_272] {strides = array<i32>} : memref<128x128xf32, #tpu.memory_space<vmem>>, vector<16xf32>,
          %mul3A_274 = arith.mulf %get3A_273, %gather3A_260 : vector<16xf32>
          %add3A_275 = arith.addf %add3A_230, %mul3A_274 : vector<16xf32>
          %get3A_276 = arith.index_cast %add3A_257 : i32 to index
          %get3A_277 = arith.constant 48 : index
          %get3A_278 = tpu.vector_load %arg5[%get3A_276, %get3A_277] {strides = array<i32>} : memref<128x128xf32, #tpu.memory_space<vmem>>, vector<16xf32>,
          %mul3A_279 = arith.mulf %get3A_278, %gather3A_260 : vector<16xf32>
          %add3A_280 = arith.addf %add3A_235, %mul3A_279 : vector<16xf32>
          %get3A_281 = arith.index_cast %add3A_257 : i32 to index
          %get3A_282 = arith.constant 64 : index
          %get3A_283 = tpu.vector_load %arg5[%get3A_281, %get3A_282] {strides = array<i32>} : memref<128x128xf32, #tpu.memory_space<vmem>>, vector<16xf32>,
          %mul3A_284 = arith.mulf %get3A_283, %gather3A_260 : vector<16xf32>
          %add3A_285 = arith.addf %add3A_240, %mul3A_284 : vector<16xf32>
          %get3A_286 = arith.index_cast %add3A_257 : i32 to index
          %get3A_287 = arith.constant 80 : index
          %get3A_288 = tpu.vector_load %arg5[%get3A_286, %get3A_287] {strides = array<i32>} : memref<128x128xf32, #tpu.memory_space<vmem>>, vector<16xf32>,
          %mul3A_289 = arith.mulf %get3A_288, %gather3A_260 : vector<16xf32>
          %add3A_290 = arith.addf %add3A_245, %mul3A_289 : vector<16xf32>
          %get3A_291 = arith.index_cast %add3A_257 : i32 to index
          %get3A_292 = arith.constant 96 : index
          %get3A_293 = tpu.vector_load %arg5[%get3A_291, %get3A_292] {strides = array<i32>} : memref<128x128xf32, #tpu.memory_space<vmem>>, vector<16xf32>,
          %mul3A_294 = arith.mulf %get3A_293, %gather3A_260 : vector<16xf32>
          %add3A_295 = arith.addf %add3A_250, %mul3A_294 : vector<16xf32>
          %get3A_296 = arith.index_cast %add3A_257 : i32 to index
          %get3A_297 = arith.constant 112 : index
          %get3A_298 = tpu.vector_load %arg5[%get3A_296, %get3A_297] {strides = array<i32>} : memref<128x128xf32, #tpu.memory_space<vmem>>, vector<16xf32>,
          %mul3A_299 = arith.mulf %get3A_298, %gather3A_260 : vector<16xf32>
          %add3A_300 = arith.addf %add3A_255, %mul3A_299 : vector<16xf32>
          scf.yield %add3A_265, %add3A_270, %add3A_275, %add3A_280, %add3A_285, %add3A_290, %add3A_295, %add3A_300 : vector<16xf32>, vector<16xf32>, vector<16xf32>, vector<16xf32>, vector<16xf32>, vector<16xf32>, vector<16xf32>, vector<16xf32>
        }
        %scan3A_183 = arith.constant 64 : i32
        %lt3A_184 = arith.constant 3 : i32
        %lt3A_185 = arith.cmpi slt, %scan3A_147, %lt3A_184 : i32
        %convert_element_type3A = arith.extui %lt3A_185 : i1 to i32
        %cond3A = arith.constant 0 : i32
        %cond3A_186 = arith.cmpi ne, %convert_element_type3A, %cond3A : i32
        scf.if %cond3A_186 {
          %mul3A_201 = arith.constant 2 : i32
          %mul3A_202 = arith.muli %mul3A_201, %scan3A_147 : i32
          %add3A_203 = arith.constant 2 : i32
          %add3A_204 = arith.addi %mul3A_202, %add3A_203 : i32
          %mul3A_205 = arith.constant 128 : i32
          %mul3A_206 = arith.muli %add3A_204, %mul3A_205 : i32
          %add3A_207 = arith.constant 1024 : i32
          %add3A_208 = arith.addi %add3A_207, %mul3A_206 : i32
          %dma_start3A_209 = tpu.memref_slice %arg2[%select_n3A, %add3A_208, %mul3A_43] : memref<12x2048x2048xf32, #tpu.memory_space<hbm>> -> memref<1x128x128xf32, #tpu.memory_space<hbm>>
          %dma_start3A_210 = tpu.memref_squeeze %dma_start3A_209 : memref<1x128x128xf32, #tpu.memory_space<hbm>> -> memref<128x128xf32, #tpu.memory_space<hbm>>
          %dma_start3A_211 = tpu.memref_slice %arg2[%select_n3A, %add3A_208, %mul3A_43] : memref<12x2048x2048xf32, #tpu.memory_space<hbm>> -> memref<1x128x128xf32, #tpu.memory_space<hbm>>
          %dma_start3A_212 = tpu.memref_squeeze %dma_start3A_211 : memref<1x128x128xf32, #tpu.memory_space<hbm>> -> memref<128x128xf32, #tpu.memory_space<hbm>>
          tpu.enqueue_dma source(%dma_start3A_212 : memref<128x128xf32, #tpu.memory_space<hbm>>) target(%arg5 : memref<128x128xf32, #tpu.memory_space<vmem>>) target_semaphore(%arg9 : memref<!tpu.dma_semaphore, #tpu.memory_space<semaphore_mem>>)
        } else {
        }
        %dma_wait3A_187 = arith.constant 1024 : i32
        %dma_wait3A_188 = tpu.memref_slice %arg2[%select_n3A, %dma_wait3A_187, %mul3A_43] : memref<12x2048x2048xf32, #tpu.memory_space<hbm>> -> memref<1x128x128xf32, #tpu.memory_space<hbm>>
        %dma_wait3A_189 = tpu.memref_squeeze %dma_wait3A_188 : memref<1x128x128xf32, #tpu.memory_space<hbm>> -> memref<128x128xf32, #tpu.memory_space<hbm>>
        %dma_wait3A_190 = arith.constant 1024 : i32
        %dma_wait3A_191 = tpu.memref_slice %arg2[%select_n3A, %dma_wait3A_190, %mul3A_43] : memref<12x2048x2048xf32, #tpu.memory_space<hbm>> -> memref<1x128x128xf32, #tpu.memory_space<hbm>>
        %dma_wait3A_192 = tpu.memref_squeeze %dma_wait3A_191 : memref<1x128x128xf32, #tpu.memory_space<hbm>> -> memref<128x128xf32, #tpu.memory_space<hbm>>
        tpu.wait_dma2 semaphore(%arg10 : memref<!tpu.dma_semaphore, #tpu.memory_space<semaphore_mem>>) src(%dma_wait3A_192 : memref<128x128xf32, #tpu.memory_space<hbm>>) dst(%arg6 : memref<128x128xf32, #tpu.memory_space<vmem>>)
        %add3A_193 = arith.constant 128 : i32
        %add3A_194 = arith.addi %mul3A_159, %add3A_193 : i32
        %scan3A_195 = arith.constant 0 : i32
        %scan3A_196 = arith.constant 64 : i32
        %scan3A_197 = arith.addi %scan3A_195, %scan3A_196 : i32
        %scan3A_198 = arith.constant 1 : i32
        %scan3A_199:8 = scf.for %scan3A_201 = %scan3A_195 to %scan3A_197 step %scan3A_198 iter_args(%scan3A_202 = %scan3A_182#0, %scan3A_203 = %scan3A_182#1, %scan3A_204 = %scan3A_182#2, %scan3A_205 = %scan3A_182#3, %scan3A_206 = %scan3A_182#4, %scan3A_207 = %scan3A_182#5, %scan3A_208 = %scan3A_182#6, %scan3A_209 = %scan3A_182#7) -> (vector<16xf32>, vector<16xf32>, vector<16xf32>, vector<16xf32>, vector<16xf32>, vector<16xf32>, vector<16xf32>, vector<16xf32>)  : i32 {
          %mul3A_210 = arith.constant 2 : i32
          %mul3A_211 = arith.muli %scan3A_201, %mul3A_210 : i32
          %add3A_212 = arith.constant 0 : i32
          %add3A_213 = arith.addi %mul3A_211, %add3A_212 : i32
          %add3A_214 = arith.addi %add3A_194, %add3A_213 : i32
          %broadcast_in_dim3A_215 = vector.broadcast %add3A_214 : i32 to vector<16xi32>
          %gather3A_216 = tpu.vector_load_idx %arg7[%broadcast_in_dim3A_215] : memref<1024xf32, #tpu.memory_space<vmem>>[vector<16xi32>], vector<16xf32>,
          %get3A = arith.index_cast %add3A_213 : i32 to index
          %get3A_217 = arith.constant 0 : index
          %get3A_218 = tpu.vector_load %arg6[%get3A, %get3A_217] {strides = array<i32>} : memref<128x128xf32, #tpu.memory_space<vmem>>, vector<16xf32>,
          %mul3A_219 = arith.mulf %get3A_218, %gather3A_216 : vector<16xf32>
          %add3A_220 = arith.addf %scan3A_202, %mul3A_219 : vector<16xf32>
          %get3A_221 = arith.index_cast %add3A_213 : i32 to index
          %get3A_222 = arith.constant 16 : index
          %get3A_223 = tpu.vector_load %arg6[%get3A_221, %get3A_222] {strides = array<i32>} : memref<128x128xf32, #tpu.memory_space<vmem>>, vector<16xf32>,
          %mul3A_224 = arith.mulf %get3A_223, %gather3A_216 : vector<16xf32>
          %add3A_225 = arith.addf %scan3A_203, %mul3A_224 : vector<16xf32>
          %get3A_226 = arith.index_cast %add3A_213 : i32 to index
          %get3A_227 = arith.constant 32 : index
          %get3A_228 = tpu.vector_load %arg6[%get3A_226, %get3A_227] {strides = array<i32>} : memref<128x128xf32, #tpu.memory_space<vmem>>, vector<16xf32>,
          %mul3A_229 = arith.mulf %get3A_228, %gather3A_216 : vector<16xf32>
          %add3A_230 = arith.addf %scan3A_204, %mul3A_229 : vector<16xf32>
          %get3A_231 = arith.index_cast %add3A_213 : i32 to index
          %get3A_232 = arith.constant 48 : index
          %get3A_233 = tpu.vector_load %arg6[%get3A_231, %get3A_232] {strides = array<i32>} : memref<128x128xf32, #tpu.memory_space<vmem>>, vector<16xf32>,
          %mul3A_234 = arith.mulf %get3A_233, %gather3A_216 : vector<16xf32>
          %add3A_235 = arith.addf %scan3A_205, %mul3A_234 : vector<16xf32>
          %get3A_236 = arith.index_cast %add3A_213 : i32 to index
          %get3A_237 = arith.constant 64 : index
          %get3A_238 = tpu.vector_load %arg6[%get3A_236, %get3A_237] {strides = array<i32>} : memref<128x128xf32, #tpu.memory_space<vmem>>, vector<16xf32>,
          %mul3A_239 = arith.mulf %get3A_238, %gather3A_216 : vector<16xf32>
          %add3A_240 = arith.addf %scan3A_206, %mul3A_239 : vector<16xf32>
          %get3A_241 = arith.index_cast %add3A_213 : i32 to index
          %get3A_242 = arith.constant 80 : index
          %get3A_243 = tpu.vector_load %arg6[%get3A_241, %get3A_242] {strides = array<i32>} : memref<128x128xf32, #tpu.memory_space<vmem>>, vector<16xf32>,
          %mul3A_244 = arith.mulf %get3A_243, %gather3A_216 : vector<16xf32>
          %add3A_245 = arith.addf %scan3A_207, %mul3A_244 : vector<16xf32>
          %get3A_246 = arith.index_cast %add3A_213 : i32 to index
          %get3A_247 = arith.constant 96 : index
          %get3A_248 = tpu.vector_load %arg6[%get3A_246, %get3A_247] {strides = array<i32>} : memref<128x128xf32, #tpu.memory_space<vmem>>, vector<16xf32>,
          %mul3A_249 = arith.mulf %get3A_248, %gather3A_216 : vector<16xf32>
          %add3A_250 = arith.addf %scan3A_208, %mul3A_249 : vector<16xf32>
          %get3A_251 = arith.index_cast %add3A_213 : i32 to index
          %get3A_252 = arith.constant 112 : index
          %get3A_253 = tpu.vector_load %arg6[%get3A_251, %get3A_252] {strides = array<i32>} : memref<128x128xf32, #tpu.memory_space<vmem>>, vector<16xf32>,
          %mul3A_254 = arith.mulf %get3A_253, %gather3A_216 : vector<16xf32>
          %add3A_255 = arith.addf %scan3A_209, %mul3A_254 : vector<16xf32>
          %add3A_256 = arith.constant 1 : i32
          %add3A_257 = arith.addi %mul3A_211, %add3A_256 : i32
          %add3A_258 = arith.addi %add3A_194, %add3A_257 : i32
          %broadcast_in_dim3A_259 = vector.broadcast %add3A_258 : i32 to vector<16xi32>
          %gather3A_260 = tpu.vector_load_idx %arg7[%broadcast_in_dim3A_259] : memref<1024xf32, #tpu.memory_space<vmem>>[vector<16xi32>], vector<16xf32>,
          %get3A_261 = arith.index_cast %add3A_257 : i32 to index
          %get3A_262 = arith.constant 0 : index
          %get3A_263 = tpu.vector_load %arg6[%get3A_261, %get3A_262] {strides = array<i32>} : memref<128x128xf32, #tpu.memory_space<vmem>>, vector<16xf32>,
          %mul3A_264 = arith.mulf %get3A_263, %gather3A_260 : vector<16xf32>
          %add3A_265 = arith.addf %add3A_220, %mul3A_264 : vector<16xf32>
          %get3A_266 = arith.index_cast %add3A_257 : i32 to index
          %get3A_267 = arith.constant 16 : index
          %get3A_268 = tpu.vector_load %arg6[%get3A_266, %get3A_267] {strides = array<i32>} : memref<128x128xf32, #tpu.memory_space<vmem>>, vector<16xf32>,
          %mul3A_269 = arith.mulf %get3A_268, %gather3A_260 : vector<16xf32>
          %add3A_270 = arith.addf %add3A_225, %mul3A_269 : vector<16xf32>
          %get3A_271 = arith.index_cast %add3A_257 : i32 to index
          %get3A_272 = arith.constant 32 : index
          %get3A_273 = tpu.vector_load %arg6[%get3A_271, %get3A_272] {strides = array<i32>} : memref<128x128xf32, #tpu.memory_space<vmem>>, vector<16xf32>,
          %mul3A_274 = arith.mulf %get3A_273, %gather3A_260 : vector<16xf32>
          %add3A_275 = arith.addf %add3A_230, %mul3A_274 : vector<16xf32>
          %get3A_276 = arith.index_cast %add3A_257 : i32 to index
          %get3A_277 = arith.constant 48 : index
          %get3A_278 = tpu.vector_load %arg6[%get3A_276, %get3A_277] {strides = array<i32>} : memref<128x128xf32, #tpu.memory_space<vmem>>, vector<16xf32>,
          %mul3A_279 = arith.mulf %get3A_278, %gather3A_260 : vector<16xf32>
          %add3A_280 = arith.addf %add3A_235, %mul3A_279 : vector<16xf32>
          %get3A_281 = arith.index_cast %add3A_257 : i32 to index
          %get3A_282 = arith.constant 64 : index
          %get3A_283 = tpu.vector_load %arg6[%get3A_281, %get3A_282] {strides = array<i32>} : memref<128x128xf32, #tpu.memory_space<vmem>>, vector<16xf32>,
          %mul3A_284 = arith.mulf %get3A_283, %gather3A_260 : vector<16xf32>
          %add3A_285 = arith.addf %add3A_240, %mul3A_284 : vector<16xf32>
          %get3A_286 = arith.index_cast %add3A_257 : i32 to index
          %get3A_287 = arith.constant 80 : index
          %get3A_288 = tpu.vector_load %arg6[%get3A_286, %get3A_287] {strides = array<i32>} : memref<128x128xf32, #tpu.memory_space<vmem>>, vector<16xf32>,
          %mul3A_289 = arith.mulf %get3A_288, %gather3A_260 : vector<16xf32>
          %add3A_290 = arith.addf %add3A_245, %mul3A_289 : vector<16xf32>
          %get3A_291 = arith.index_cast %add3A_257 : i32 to index
          %get3A_292 = arith.constant 96 : index
          %get3A_293 = tpu.vector_load %arg6[%get3A_291, %get3A_292] {strides = array<i32>} : memref<128x128xf32, #tpu.memory_space<vmem>>, vector<16xf32>,
          %mul3A_294 = arith.mulf %get3A_293, %gather3A_260 : vector<16xf32>
          %add3A_295 = arith.addf %add3A_250, %mul3A_294 : vector<16xf32>
          %get3A_296 = arith.index_cast %add3A_257 : i32 to index
          %get3A_297 = arith.constant 112 : index
          %get3A_298 = tpu.vector_load %arg6[%get3A_296, %get3A_297] {strides = array<i32>} : memref<128x128xf32, #tpu.memory_space<vmem>>, vector<16xf32>,
          %mul3A_299 = arith.mulf %get3A_298, %gather3A_260 : vector<16xf32>
          %add3A_300 = arith.addf %add3A_255, %mul3A_299 : vector<16xf32>
          scf.yield %add3A_265, %add3A_270, %add3A_275, %add3A_280, %add3A_285, %add3A_290, %add3A_295, %add3A_300 : vector<16xf32>, vector<16xf32>, vector<16xf32>, vector<16xf32>, vector<16xf32>, vector<16xf32>, vector<16xf32>, vector<16xf32>
        }
        %scan3A_200 = arith.constant 64 : i32
        scf.yield %scan3A_199#0, %scan3A_199#1, %scan3A_199#2, %scan3A_199#3, %scan3A_199#4, %scan3A_199#5, %scan3A_199#6, %scan3A_199#7 : vector<16xf32>, vector<16xf32>, vector<16xf32>, vector<16xf32>, vector<16xf32>, vector<16xf32>, vector<16xf32>, vector<16xf32>
      }
      %scan3A_119 = arith.constant 4 : i32
      %swap3A_120 = arith.constant 0 : index
      %swap3A_121 = tpu.vector_load %arg8[%swap3A_120] {strides = array<i32>} : memref<128xf32, #tpu.memory_space<vmem>>, vector<16xf32>,
      tpu.vector_store %arg8[%swap3A_120], %scan3A_118#0 {strides = array<i32>} : memref<128xf32, #tpu.memory_space<vmem>>, vector<16xf32>,
      %swap3A_122 = arith.constant 16 : index
      %swap3A_123 = tpu.vector_load %arg8[%swap3A_122] {strides = array<i32>} : memref<128xf32, #tpu.memory_space<vmem>>, vector<16xf32>,
      tpu.vector_store %arg8[%swap3A_122], %scan3A_118#1 {strides = array<i32>} : memref<128xf32, #tpu.memory_space<vmem>>, vector<16xf32>,
      %swap3A_124 = arith.constant 32 : index
      %swap3A_125 = tpu.vector_load %arg8[%swap3A_124] {strides = array<i32>} : memref<128xf32, #tpu.memory_space<vmem>>, vector<16xf32>,
      tpu.vector_store %arg8[%swap3A_124], %scan3A_118#2 {strides = array<i32>} : memref<128xf32, #tpu.memory_space<vmem>>, vector<16xf32>,
      %swap3A_126 = arith.constant 48 : index
      %swap3A_127 = tpu.vector_load %arg8[%swap3A_126] {strides = array<i32>} : memref<128xf32, #tpu.memory_space<vmem>>, vector<16xf32>,
      tpu.vector_store %arg8[%swap3A_126], %scan3A_118#3 {strides = array<i32>} : memref<128xf32, #tpu.memory_space<vmem>>, vector<16xf32>,
      %swap3A_128 = arith.constant 64 : index
      %swap3A_129 = tpu.vector_load %arg8[%swap3A_128] {strides = array<i32>} : memref<128xf32, #tpu.memory_space<vmem>>, vector<16xf32>,
      tpu.vector_store %arg8[%swap3A_128], %scan3A_118#4 {strides = array<i32>} : memref<128xf32, #tpu.memory_space<vmem>>, vector<16xf32>,
      %swap3A_130 = arith.constant 80 : index
      %swap3A_131 = tpu.vector_load %arg8[%swap3A_130] {strides = array<i32>} : memref<128xf32, #tpu.memory_space<vmem>>, vector<16xf32>,
      tpu.vector_store %arg8[%swap3A_130], %scan3A_118#5 {strides = array<i32>} : memref<128xf32, #tpu.memory_space<vmem>>, vector<16xf32>,
      %swap3A_132 = arith.constant 96 : index
      %swap3A_133 = tpu.vector_load %arg8[%swap3A_132] {strides = array<i32>} : memref<128xf32, #tpu.memory_space<vmem>>, vector<16xf32>,
      tpu.vector_store %arg8[%swap3A_132], %scan3A_118#6 {strides = array<i32>} : memref<128xf32, #tpu.memory_space<vmem>>, vector<16xf32>,
      %swap3A_134 = arith.constant 112 : index
      %swap3A_135 = tpu.vector_load %arg8[%swap3A_134] {strides = array<i32>} : memref<128xf32, #tpu.memory_space<vmem>>, vector<16xf32>,
      tpu.vector_store %arg8[%swap3A_134], %scan3A_118#7 {strides = array<i32>} : memref<128xf32, #tpu.memory_space<vmem>>, vector<16xf32>,
      %dma_start3A_136 = arith.constant 0 : i32
      %dma_start3A_137 = tpu.memref_slice %arg4[%select_n3A, %dma_start3A_136, %mul3A_43] : memref<12x1x1024xf32, #tpu.memory_space<hbm>> -> memref<1x1x128xf32, #tpu.memory_space<hbm>>
      %dma_start3A_138 = tpu.memref_squeeze %dma_start3A_137 : memref<1x1x128xf32, #tpu.memory_space<hbm>> -> memref<128xf32, #tpu.memory_space<hbm>>
      %dma_start3A_139 = tpu.memref_slice %arg4[%select_n3A, %dma_start3A_136, %mul3A_43] : memref<12x1x1024xf32, #tpu.memory_space<hbm>> -> memref<1x1x128xf32, #tpu.memory_space<hbm>>
      %dma_start3A_140 = tpu.memref_squeeze %dma_start3A_139 : memref<1x1x128xf32, #tpu.memory_space<hbm>> -> memref<128xf32, #tpu.memory_space<hbm>>
      tpu.enqueue_dma source(%arg8 : memref<128xf32, #tpu.memory_space<vmem>>) target(%dma_start3A_140 : memref<128xf32, #tpu.memory_space<hbm>>) target_semaphore(%arg11 : memref<!tpu.dma_semaphore, #tpu.memory_space<semaphore_mem>>)
      %dma_wait3A_141 = arith.constant 0 : i32
      %dma_wait3A_142 = tpu.memref_slice %arg4[%select_n3A, %dma_wait3A_141, %mul3A_43] : memref<12x1x1024xf32, #tpu.memory_space<hbm>> -> memref<1x1x128xf32, #tpu.memory_space<hbm>>
      %dma_wait3A_143 = tpu.memref_squeeze %dma_wait3A_142 : memref<1x1x128xf32, #tpu.memory_space<hbm>> -> memref<128xf32, #tpu.memory_space<hbm>>
      %dma_wait3A_144 = tpu.memref_slice %arg4[%select_n3A, %dma_wait3A_141, %mul3A_43] : memref<12x1x1024xf32, #tpu.memory_space<hbm>> -> memref<1x1x128xf32, #tpu.memory_space<hbm>>
      %dma_wait3A_145 = tpu.memref_squeeze %dma_wait3A_144 : memref<1x1x128xf32, #tpu.memory_space<hbm>> -> memref<128xf32, #tpu.memory_space<hbm>>
      tpu.wait_dma2 semaphore(%arg11 : memref<!tpu.dma_semaphore, #tpu.memory_space<semaphore_mem>>) src(%arg8 : memref<128xf32, #tpu.memory_space<vmem>>) dst(%dma_wait3A_145 : memref<128xf32, #tpu.memory_space<hbm>>)
      %scan3A_146 = arith.constant 0 : i32
      scf.yield %scan3A_146 : i32
    }
    %scan3A_6 = arith.constant 3 : i32
    return
  }
}

module attributes {stable_mosaic.version = 14 : i64} {
  func.func @_tc_body(%arg0: i32, %arg1: i32, %arg2: memref<1x1024x512xf32, #tpu.memory_space<vmem>>, %arg3: memref<1x1x2048xf32, #tpu.memory_space<vmem>>, %arg4: memref<1x1x512xf32, #tpu.memory_space<vmem>>, %arg5: memref<1x1x1xf32, #tpu.memory_space<vmem>>) attributes {dimension_semantics = [#tpu.dimension_semantics<arbitrary>, #tpu.dimension_semantics<arbitrary>], iteration_bounds = array<i64: 12, 2>, scalar_prefetch = 0 : i64, scratch_operands = 0 : i64, tpu.core_type = #tpu.core_type<tc>, window_params = [{transform_indices = @transform_0, window_bounds = array<i64: 1, 1024, 512>}, {transform_indices = @transform_1, window_bounds = array<i64: 1, 1, 2048>}, {transform_indices = @transform_2, window_bounds = array<i64: 1, 1, 512>}, {transform_indices = @transform_3, window_bounds = array<i64: 1, 1, 1>}]} {
    %get3A = arith.constant 0 : index
    %get3A_0 = arith.constant 0 : index
    %get3A_1 = arith.constant 1024 : index
    %get3A_2 = vector.load %arg3[%get3A, %get3A_0, %get3A_1] : memref<1x1x2048xf32, #tpu.memory_space<vmem>>, vector<1x1x1024xf32>
    %get3A_3 = vector.shape_cast %get3A_2 : vector<1x1x1024xf32> to vector<1024xf32>
    %reduce_sum3A = vector.shape_cast %get3A_3 : vector<1024xf32> to vector<1x1024xf32>
    %reduce_sum3A_4 = arith.constant dense<0.000000e+00> : vector<1xf32>
    %reduce_sum3A_5 = vector.multi_reduction <add>, %reduce_sum3A, %reduce_sum3A_4 [1] : vector<1x1024xf32> to vector<1xf32>
    %reduce_sum3A_6 = vector.shape_cast %reduce_sum3A_5 : vector<1xf32> to vector<1x1xf32>
    %reduce_sum3A_7 = vector.extract %reduce_sum3A_6[0, 0] : f32 from vector<1x1xf32>
    %eq3A = arith.constant 0.000000e+00 : f32
    %eq3A_8 = arith.cmpf oeq, %reduce_sum3A_7, %eq3A : f32
    %add3A = arith.constant 9.99999993E-9 : f32
    %add3A_9 = arith.addf %reduce_sum3A_7, %add3A : f32
    %div3A = arith.constant 1.000000e+00 : f32
    %div3A_10 = arith.divf %div3A, %add3A_9 : f32
    %jit3A = arith.constant 0.000000e+00 : f32
    %select_n3A = arith.select %eq3A_8, %jit3A, %div3A_10 : f32
    %jit3A_11 = arith.constant 9.765625E-4 : f32
    %jit3A_12 = arith.constant 0.000000e+00 : f32
    %select_n3A_13 = arith.select %eq3A_8, %jit3A_11, %jit3A_12 : f32
    %mul3A = vector.broadcast %select_n3A : f32 to vector<1024xf32>
    %mul3A_14 = arith.mulf %get3A_3, %mul3A : vector<1024xf32>
    %add3A_15 = vector.broadcast %select_n3A_13 : f32 to vector<1024xf32>
    %add3A_16 = arith.addf %mul3A_14, %add3A_15 : vector<1024xf32>
    %get3A_17 = arith.constant 0 : index
    %get3A_18 = arith.constant 0 : index
    %get3A_19 = arith.constant 0 : index
    %get3A_20 = vector.load %arg2[%get3A_17, %get3A_18, %get3A_19] : memref<1x1024x512xf32, #tpu.memory_space<vmem>>, vector<1x1024x512xf32>
    %get3A_21 = vector.shape_cast %get3A_20 : vector<1x1024x512xf32> to vector<1024x512xf32>
    %broadcast_in_dim3A = vector.shape_cast %add3A_16 : vector<1024xf32> to vector<1024x1xf32>
    %mul3A_22 = vector.broadcast %broadcast_in_dim3A : vector<1024x1xf32> to vector<1024x512xf32>
    %mul3A_23 = arith.mulf %get3A_21, %mul3A_22 : vector<1024x512xf32>
    %reduce_sum3A_24 = arith.constant dense<0.000000e+00> : vector<512xf32>
    %reduce_sum3A_25 = vector.multi_reduction <add>, %mul3A_23, %reduce_sum3A_24 [0] : vector<1024x512xf32> to vector<512xf32>
    %swap3A = arith.constant 0 : index
    %swap3A_26 = arith.constant 0 : index
    %swap3A_27 = arith.constant 0 : index
    %swap3A_28 = vector.load %arg4[%swap3A, %swap3A_26, %swap3A_27] : memref<1x1x512xf32, #tpu.memory_space<vmem>>, vector<1x1x512xf32>
    %swap3A_29 = vector.shape_cast %swap3A_28 : vector<1x1x512xf32> to vector<512xf32>
    %swap3A_30 = vector.shape_cast %reduce_sum3A_25 : vector<512xf32> to vector<1x1x512xf32>
    tpu.vector_store %arg4[%swap3A, %swap3A_26, %swap3A_27], %swap3A_30 {strides = array<i32>} : memref<1x1x512xf32, #tpu.memory_space<vmem>>, vector<1x1x512xf32>,
    %reduce_max3A = vector.shape_cast %get3A_3 : vector<1024xf32> to vector<1x1024xf32>
    %reduce_max3A_31 = arith.constant dense<0xFF800000> : vector<1xf32>
    %reduce_max3A_32 = vector.multi_reduction <maximumf>, %reduce_max3A, %reduce_max3A_31 [1] : vector<1x1024xf32> to vector<1xf32>
    %reduce_max3A_33 = vector.shape_cast %reduce_max3A_32 : vector<1xf32> to vector<1x1xf32>
    %reduce_max3A_34 = vector.extract %reduce_max3A_33[0, 0] : f32 from vector<1x1xf32>
    %broadcast_in_dim3A_35 = vector.broadcast %reduce_max3A_34 : f32 to vector<1x1x1xf32>
    %swap3A_36 = arith.constant 0 : index
    %swap3A_37 = arith.constant 0 : index
    %swap3A_38 = arith.constant 0 : index
    %swap3A_39 = vector.load %arg5[%swap3A_36, %swap3A_37, %swap3A_38] : memref<1x1x1xf32, #tpu.memory_space<vmem>>, vector<1x1x1xf32>
    tpu.vector_store %arg5[%swap3A_36, %swap3A_37, %swap3A_38], %broadcast_in_dim3A_35 {strides = array<i32>} : memref<1x1x1xf32, #tpu.memory_space<vmem>>, vector<1x1x1xf32>,
    return
  }
  func.func @transform_0(%arg0: i32, %arg1: i32) -> (i32, i32, i32) {
    %add3A = arith.constant 2 : i32
    %add3A_0 = arith.addi %add3A, %arg1 : i32
    %c1_i32 = arith.constant 1 : i32
    %c0_i32 = arith.constant 0 : i32
    return %arg0, %c1_i32, %add3A_0 : i32, i32, i32
  }
  func.func @transform_1(%arg0: i32, %arg1: i32) -> (i32, i32, i32) {
    %c0_i32 = arith.constant 0 : i32
    %c0_i32_0 = arith.constant 0 : i32
    %c0_i32_1 = arith.constant 0 : i32
    return %arg0, %c0_i32, %c0_i32_0 : i32, i32, i32
  }
  func.func @transform_2(%arg0: i32, %arg1: i32) -> (i32, i32, i32) {
    %c0_i32 = arith.constant 0 : i32
    %c0_i32_0 = arith.constant 0 : i32
    return %arg0, %c0_i32, %arg1 : i32, i32, i32
  }
  func.func @transform_3(%arg0: i32, %arg1: i32) -> (i32, i32, i32) {
    %c0_i32 = arith.constant 0 : i32
    %c0_i32_0 = arith.constant 0 : i32
    %c0_i32_1 = arith.constant 0 : i32
    return %arg0, %c0_i32, %c0_i32_0 : i32, i32, i32
  }
}

</mosaic_0001>

<sc_bundles>
// kernel: kernel.4.cloned.1.call-start
scs
__scs_entry_jumppad:
0x0: {  	(pc) =	sbr.rel $0x88, $3  }
0x1: {  	(tag) =	ssettag $0x0;
	lr =	simm.s32 $0x1  }
0x2: {  	[smem:$0x3F9F] =	sst lr;
	_ =	strace $0xD0000000  }
0x3: {  	_ = 	snop  }
0x4: {  	_ = 	snop  }
0x5: {  	_ = 	snop  }
0x6: {  	_ = 	snop  }
0x7: {  	_ = 	snop  }
__scs_overlays_trampoline_lowered:
0x8: {  	[smem:$0x3FAE] =	sst s0  }
0x9: {  	[smem:$0x3FAF] =	sst s1  }
0xa: {  	[smem:$0x3FB0] =	sst s2  }
0xb: {  	[smem:$0x3FB1] =	sst s3  }
0xc: {  	[smem:$0x3FB2] =	sst s4  }
0xd: {  	[smem:$0x3FB3] =	sst s5  }
0xe: {  	[smem:$0x3FB4] =	sst s6  }
0xf: {  	[smem:$0x3FB5] =	sst s7  }
0x10: {  	[smem:$0x3FB6] =	sst s8  }
0x11: {  	[smem:$0x3FB7] =	sst s9;
	s0 =	simm.s32 @!p0 $0x0  }
0x12: {  	s1 =	sld [smem:$0x3F9D];
	s0 =	simm.s32 @p0 $0x1  }
0x13: {  	[smem:$0x3FB8] =	sst s0;
	s0 =	simm.s32 @!p1 $0x0  }
0x14: {  	s2 =	sld [smem:$0x3F9C];
	s0 =	simm.s32 @p1 $0x1  }
0x15: {  	[smem:$0x3FB9] =	sst s0;
	s0 =	simm.s32 @!p2 $0x0  }
0x16: {  	s3 =	sld [smem:$0x3FDB];
	s0 =	simm.s32 @p2 $0x1  }
0x17: {  	s4 =	simm.s32 $0x1BF5;
	[smem:$0x3FBB] =	sst s0  }
0x18: {  	s0 =	sld [smem:$0x3F9E];
	_ =	swait.ge [sflag:s4], $0x0  }
0x19: {  	s7 =	sld [smem:$0x3F9F]  }
0x1a: {  	s8 =	sadd.s32 $0xFFFFE003, lr  }
0x1b: {  	s9 =	sadd.s32 $0xFFFFFEF7, lr;
	s5 =	simm.s32 $0xFFFFFFFF;
	p2 =	slt.u32 s8, $0xFFFFF086  }
0x1c: {  	p1 =	slt.u32 s9, $0xF7A;
	s5 =	simm.s32 @!p2 $0x0  }
0x1d: {  	s5 =	simm.s32 @p1 $0x1;
	p0 =	seq.s32 s7, s2  }
0x1e: {  	s7 =	smul.u32 @!p0 $0xF7A, s2;
	p2 =	seq.s32 @!p0 s5, $0x0  }
0x1f: {  	s9 =	smul.u32 $0xF7A, s1;
	s8 =	simm.s32 @!p0 $0x1BF5;
	p2 =	por !p2, p0  }
0x20: {  	[sflag:s8] =	ssyncset.s32 @!p0 $0xFFFFF086;
	s6 =	sadd.s32 @!p0 s3, s7;
	s7 =	simm.s32 @!p0 $0x108  }
0x21: {  	s3 =	sadd.s32 s3, s9;
	s6 =	sadd.s32 @!p0 $0x88, s6;
	s7 =	simm.s32 @p2 $0x1082  }
0x22: {  	[simem:s7], [sflag:s8] =	dma.local @!p0 [hbm:s6], $0xF7A  }
0x23: {  	s9 =	sor.u32 $0xD0000000, s2;
	s6 =	simm.s32 $0x108;
	_ =	swait.ge @!p0 [sflag:s8], $0x0  }
0x24: {  	s3 =	sadd.s32 $0x88, s3;
	s6 =	simm.s32 @!p1 $0x1082;
	[sflag:s4] =	ssyncset.s32 $0xFFFFF086  }
0x25: {  	[simem:s6], [sflag:s4] =	dma.local [hbm:s3], $0xF7A  }
0x26: {  	[smem:$0x3F9F] =	sst s1;
	(tag) =	ssettag s2;
	_ =	strace s9  }
0x27: {  	s1 =	sld [smem:$0x3FAF]  }
0x28: {  	s2 =	sld [smem:$0x3FB0]  }
0x29: {  	s4 =	sld [smem:$0x3FB2]  }
0x2a: {  	p0 =	seq.s32 s5, $0x0;
	s5 =	sld [smem:$0x3FB3]  }
0x2b: {  	s6 =	sld [smem:$0x3FB4]  }
0x2c: {  	s7 =	sld [smem:$0x3FB5]  }
0x2d: {  	s3 =	simm.s32 $0x108;
	s8 =	sld [smem:$0x3FB6]  }
0x2e: {  	s3 =	simm.s32 @!p0 $0x1082;
	s9 =	sld [smem:$0x3FB7]  }
0x2f: {  	lr =	sadd.s32 s0, s3;
	s0 =	sld [smem:$0x3FAE]  }
0x30: {  	s3 =	sld [smem:$0x3FB1]  }
0x31: {  	[smem:$0x3FBA] =	sst s10  }
0x32: {  	s10 =	sld [smem:$0x3FB8];
	_ =	sdelay $0x3  }
0x33: {  	p0 =	seq.s32 s10, $0x1;
	s10 =	sld [smem:$0x3FBA];
	_ =	sdelay $0x3  }
0x34: {  	[smem:$0x3FBA] =	sst s10  }
0x35: {  	s10 =	sld [smem:$0x3FB9];
	_ =	sdelay $0x3  }
0x36: {  	p1 =	seq.s32 s10, $0x1;
	s10 =	sld [smem:$0x3FBA];
	_ =	sdelay $0x3  }
0x37: {  	[smem:$0x3FBA] =	sst s10  }
0x38: {  	s10 =	sld [smem:$0x3FBB]  }
0x39: {  	_ = 	snop;
	(pc) =	sbr.ind lr, $3  }
0x3a: {  	_ = 	snop  }
0x3b: {  	_ = 	snop  }
0x3c: {  	p2 =	seq.s32 s10, $0x1;
	s10 =	sld [smem:$0x3FBA]  }
0x3d: {  	_ =	shalt  }
0x3e: {  	_ =	shalt  }
0x3f: {  	_ =	shalt  }
0x40: {  	_ =	shalt  }
0x41: {  	_ =	shalt  }
0x42: {  	_ =	shalt  }
0x43: {  	_ =	shalt  }
0x44: {  	_ =	shalt  }
0x45: {  	_ =	shalt  }
0x46: {  	_ =	shalt  }
0x47: {  	_ =	shalt  }
0x48: {  	_ =	shalt  }
0x49: {  	_ =	shalt  }
0x4a: {  	_ =	shalt  }
0x4b: {  	_ =	shalt  }
0x4c: {  	_ =	shalt  }
0x4d: {  	_ =	shalt  }
0x4e: {  	_ =	shalt  }
0x4f: {  	_ =	shalt  }
0x50: {  	_ =	shalt  }
0x51: {  	_ =	shalt  }
0x52: {  	_ =	shalt  }
0x53: {  	_ =	shalt  }
0x54: {  	_ =	shalt  }
0x55: {  	_ =	shalt  }
0x56: {  	_ =	shalt  }
0x57: {  	_ =	shalt  }
0x58: {  	_ =	shalt  }
0x59: {  	_ =	shalt  }
0x5a: {  	_ =	shalt  }
0x5b: {  	_ =	shalt  }
0x5c: {  	_ =	shalt  }
0x5d: {  	_ =	shalt  }
0x5e: {  	_ =	shalt  }
0x5f: {  	_ =	shalt  }
0x60: {  	_ =	shalt  }
0x61: {  	_ =	shalt  }
0x62: {  	_ =	shalt  }
0x63: {  	_ =	shalt  }
0x64: {  	_ =	shalt  }
0x65: {  	_ =	shalt  }
0x66: {  	_ =	shalt  }
0x67: {  	_ =	shalt  }
0x68: {  	_ =	shalt  }
0x69: {  	_ =	shalt  }
0x6a: {  	_ =	shalt  }
0x6b: {  	_ =	shalt  }
0x6c: {  	_ =	shalt  }
0x6d: {  	_ =	shalt  }
0x6e: {  	_ =	shalt  }
0x6f: {  	_ =	shalt  }
0x70: {  	_ =	shalt  }
0x71: {  	_ =	shalt  }
0x72: {  	_ =	shalt  }
0x73: {  	_ =	shalt  }
0x74: {  	_ =	shalt  }
0x75: {  	_ =	shalt  }
0x76: {  	_ =	shalt  }
0x77: {  	_ =	shalt  }
0x78: {  	_ =	shalt  }
0x79: {  	_ =	shalt  }
0x7a: {  	_ =	shalt  }
0x7b: {  	_ =	shalt  }
0x7c: {  	_ =	shalt  }
0x7d: {  	_ =	shalt  }
0x7e: {  	_ =	shalt  }
0x7f: {  	_ =	shalt  }
0x80: {  	_ =	shalt  }
0x81: {  	_ =	shalt  }
0x82: {  	_ =	shalt  }
0x83: {  	_ =	shalt  }
0x84: {  	_ =	shalt  }
0x85: {  	_ =	shalt  }
0x86: {  	_ =	shalt  }
0x87: {  	_ =	shalt  }
.Lfunc_end0:
.L_simem_size_0:
called_computation_lowered:
.L_overlay_start_0:
0x88: {  	s2 =	sld [smem:$0x3FD9]  }
0x89: {  	s3 =	sld [smem:$0x3FFE];
	_ =	sdelay $0x1  }
0x8a: {  	s1 =	srdreg.scid  }
0x8b: {  	s0 =	sand.u32 $0x1, s1  }
0x8c: {  	s17 =	sshll.u32 s0, $0xA;
	s2 =	sadd.s32 s3, s2  }
0x8d: {  	s2 =	sadd.s32 s2, s17  }
0x8e: {  	[smem:$0x3FC6] =	sst s2  }
0x8f: {  	_ = 	snop  }
0x90: {  	s2 =	sld [smem:$0x3FC9]  }
0x91: {  	s18 =	sld [smem:$0x3FC8];
	(tm) =	ssettm $0x1  }
0x92: {  	s4 =	sld [smem:$0x3FFB];
	_ =	sdelay $0x3  }
0x93: {  	_ =	strace s4  }
0x94: {  	s4 =	sld [smem:$0x3FFC];
	_ =	sdelay $0x3  }
0x95: {  	_ =	strace s4  }
0x96: {  	s4 =	sld [smem:$0x3FFD];
	_ =	sdelay $0x3  }
0x97: {  	_ =	strace s4  }
0x98: {  	_ =	strace $0x8FFFFFFF  }
0x99: {  	s19 =	sld [smem:$0x3FDB];
	_ =	sdelay $0x1  }
0x9a: {  	s5 =	simm.s32 $_scs_section_size  }
0x9b: {  	s6 =	simm.s32 $_size__tile_overlayer_lowered;
	s7 =	simm.s32 $_tile_overlayer_lowered  }
0x9c: {  	s22 =	simm.s32 $0x1BFF;
	s21 =	sshll.u32 s7, $0x1;
	s4 =	sadd.s32 s5, s19  }
0x9d: {  	s8 =	simm.s32 $0x0;
	s20 =	sshll.u32 s6, $0x1;
	s6 =	sadd.s32 s21, s4  }
0x9e: {  	[timem:s8], [sflag:s22] =	dma.local [hbm:s6], s20  }
0x9f: {  	_ =	swait.ge [sflag:s22], s20  }
0xa0: {  	s5 =	ssub.s32 $0x0, s20;
	[sflag:s22] =	ssyncset.done $0x0  }
0xa1: {  	[sflag:s22] =	ssyncadd.s32 s5;
	_ =	sdelay $0x1  }
0xa2: {  	s23 =	simm.s32 $0x1B8B  }
0xa3: {  	_ =	swait.ge [sflag:s23], $0x1  }
0xa4: {  	[sflag:s23] =	ssyncset.done $0x0  }
0xa5: {  	s25 =	simm.s32 $0x1B8E;
	s24 =	sld [smem:$0x3FFE];
	[sflag:s23] =	ssyncadd.s32 $0xFFFFFFFF  }
0xa6: {  	s26 =	simm.s32 $execute0_lowered;
	[smem:$0x3FD2] =	sst s25  }
0xa7: {  	s6 =	sshll.u32 s26, $0x1;
	_ =	strace $0x80000046;
	[dreg:$0x1] =	wrdreg $0xFFFFFFFF  }
0xa8: {  	s28 =	simm.s32 $_size_execute0_lowered;
	s4 =	sadd.s32 s4, s6;
	[dreg:$0x0] =	wrdreg $0x0  }
0xa9: {  	s6 =	sshll.u32 s28, $0x1;
	[dreg:$0x2] =	wrdreg s4  }
0xaa: {  	[dreg:$0x3] =	wrdreg s6  }
0xab: {  	[dreg:$0x4] =	wrdreg $0xC0  }
0xac: {  	_ =	task [dreg:s8], $0x5FFFF  }
0xad: {  	[dreg:$0x1] =	wrdreg $0xFFFFFFFF  }
0xae: {  	[dreg:$0x0] =	wrdreg $0x60  }
0xaf: {  	[dreg:$0x2] =	wrdreg s2  }
0xb0: {  	[dreg:$0x3] =	wrdreg s18  }
0xb1: {  	[dreg:$0x4] =	wrdreg s24  }
0xb2: {  	[dreg:$0x5] =	wrdreg $0x9  }
0xb3: {  	_ =	task.clear_ibuf [dreg:s8], $0x6FFFF;
	_ =	strace $0x90000046  }
0xb4: {  	s29 =	simm.s32 $0x9;
	_ =	strace $0x80000048  }
0xb5: {  	_ =	swait.ge [sflag:s29], $0x1  }
0xb6: {  	[sflag:s29] =	ssyncadd.s32 $0xFFFFFFFF  }
0xb7: {  	_ =	strace $0x90000048  }
0xb8: {  	_ =	sfence  }
0xb9: {  	s30 =	sld [smem:$0x0];
	_ =	sdelay $0x2  }
0xba: {  	s31 =	sshll.u32 s1, $0xD;
	s1 =	sshrl.u32 s1, $0x2  }
0xbb: {  	s3 =	sand.u32 $0x4000, s31;
	s1 =	sadd.s32 s1, s30  }
0xbc: {  	s0 =	sor.u32 s3, s0;
	s1 =	sshll.u32 s1, $0x11  }
0xbd: {  	s0 =	sor.u32 s1, s0  }
0xbe: {  	s0 =	sadd.s32 $0x8F2B, s0  }
0xbf: {  	[sflag:s0] =	ssyncadd.remote.s32 $0x1  }
0xc0: {  	_ =	sfence.sel $0xFFFF  }
0xc1: {  	[dreg:$0x0] =	wrdreg $0xFFFFFFFF;
	(pc) =	sbr.abs _section_cstart, $3  }
0xc2: {  	[dreg:$0x1] =	wrdreg $0xFFFFFFFF  }
0xc3: {  	_ =	task.clear_ibuf [dreg:s8], $0x2FFFF;
	_ =	strace $0x9FFFFFFF  }
0xc4: {  	(tm) =	ssettm $0x7FFFFFFF  }
0xc5: {  	_ =	shalt  }
tec
execute0_lowered:
.L_overlay_start_1:
0x0: {  	(tag) =	ssettag $0x1  }
0x1: {  	s1 =	rddreg [dreg:$0x0]  }
0x2: {  	s6 =	rddreg [dreg:$0x1]  }
0x3: {  	s4 =	rddreg [dreg:$0x2];
	s2 =	srdreg.scid  }
0x4: {  	s0 =	rddreg [dreg:$0x3];
	s3 =	simm.s32 $0x0;
	s10 =	simm.s32 $0x3  }
0x5: {  	s11 =	simm.s32 $0x400;
	s12 =	simm.s32 $0x4000;
	s13 =	simm.s32 $0x8400  }
0x6: {  	s14 =	simm.s32 $0x1;
	s15 =	simm.s32 $0x2;
	s16 =	simm.s32 $0x0  }
0x7: {  	s5 =	sand.u32 $0x1, s2;
	[smem:$0x7FF] =	sst s3;
	s2 =	stileid.u32  }
0x8: {  	s4 =	sadd.s32 $0x400, s4;
	s6 =	sadd.s32 $0x80, s6;
	s7 =	ssub.s32 $0x2, s5  }
0x9: {  	_ =	strace $0x80000047;
	s9 =	sshll.u32 s2, $0x1;
	s8 =	sshrl.u32 s7, $0x1  }
0xa: {  	s5 =	sor.u32 s5, s9;
	s9 =	simm.s32 $0x8000;
	s8 =	ssub.s32 s7, s8  }
0xb: {  	v0 =	vimm.s32 $0xF;
	v1 =	vimm.f32 $0.0e+00;
	s5 =	smul.u32 $0x3, s5;
	s7 =	sadd.s32 $0x40000, s1;
	s8 =	smax.u32 s8, $0x1  }
.LBB2_1:
0xc: {  	s17 =	simm.s32 $0x0  }
.LBB2_2:
0xd: {  	s19 =	sadd.s32 s5, s17  }
0xe: {  	s21 =	simm.s32 $0x0;
	s20 =	sshll.u32 s19, $0x5  }
0xf: {  	s18 =	sshrl.u32 s19, $0x3;
	s19 =	sand.u32 $0x7, s19;
	s20 =	sand.u32 $0x1FFFFF00, s20  }
0x10: {  	s30 =	sshll.u32 s18, $0x16;
	s22 =	sshll.u32 s19, $0xA;
	s20 =	sadd.s32 s20, s6  }
0x11: {  	[tilespmem:s9], [sflag:$0x3] =	stream.linear.gather [hbm4b:s20+s21], $0x400, $0x38;
	[tilespmem:$0x8480] =	vst v63  }
0x12: {  	s20 =	sor.u32 s22, s30;
	_ =	swait.ge [sflag:s10], $0x400  }
0x13: {  	s22 =	sshrl.u32 s20, $0x3;
	[sflag:s10] =	ssyncset.done $0x0  }
0x14: {  	s31 =	simm.s32 $0x0;
	s22 =	sadd.s32 s22, s7;
	[sflag:s10] =	ssyncadd.s32 $0xFFFFFC00  }
0x15: {  	[tilespmem:s21], [sflag:$0x1] =	stream.strided.gather [hbm4b:s22+s11], $0x4000, s12, s11, $0x38;
	[tilespmem:$0x8480] =	vst v63  }
0x16: {  	v2 =	vimm.f32 $0.0e+00;
	s21 =	simm.s32 $0x40;
	v3 =	vld [tilespmem:s31+$0x8000]  }
.LBB2_3:
0x17: {  	p0 =	sne.s32 s21, $0xFC0  }
.Ltmp0:
0x18: {  	_ = 	snop;
	(pc) =	sbr.rel @p0 .LBB2_3-.Ltmp0, $3  }
0x19: {  	_ =	sdelay $0x1  }
0x1a: {  	s22 =	sshra.s32 s21, $0x2;
	s21 =	sadd.s32 $0x40, s21;
	v2 =	vadd.f32 v3, v2  }
0x1b: {  	v3 =	vld [tilespmem:s22+$0x8000]  }
0x1c: {  	_ =	sdelay $0x3  }
0x1d: {  	v2 =	vadd.f32 v3, v2;
	_ =	sdelay $0x1  }
0x1e: {  	(xrf2) =	vadd.scan.msk.f32 $0xffff, v2;
	_ =	sdelay $0x9  }
0x1f: {  	v2, _, _ =	vpop (xrf2)  }
0x20: {  	[tilespmem:$0x8400] =	vst v2  }
0x21: {  	v2 =	vld.idx.msk [tilespmem:v0+s13+$0x0], $0xffff;
	_ =	sdelay $0x4  }
0x22: {  	v3 =	vadd.f32 $9.999999930e-09, v2;
	_ =	sdelay $0x1  }
0x23: {  	(erf) = vrcp.f32 v3;
	_ =	sdelay $0x8  }
0x24: {  	vm0 =	veq.f32 v2, $0.0e+00;
	v2 =	vpop (erf)  }
0x25: {  	s21 =	simm.s32 $0x0;
	s22 =	simm.s32 $0x40;
	v3 =	vsel vm0, $0x3A800000, v1;
	v2 =	vsel vm0, $0x0, v2  }
.LBB2_5:
0x26: {  	p0 =	seq.s32 s22, $0xFC0;
	v4 =	vld [tilespmem:s21+$0x8000];
	_ =	sdelay $0x4  }
.Ltmp1:
0x27: {  	v4 =	vmul.f32 v4, v2;
	(pc) =	sbr.rel @!p0 .LBB2_5-.Ltmp1, $3  }
0x28: {  	_ = 	snop  }
0x29: {  	v4 =	vadd.f32 v4, v3;
	_ =	sdelay $0x1  }
0x2a: {  	[tilespmem:s21+$0x8000] =	vst v4;
	s21 =	sshra.s32 s22, $0x2;
	s22 =	sadd.s32 $0x40, s22  }
0x2b: {  	v4 =	vld [tilespmem:s21+$0x8000];
	_ =	sdelay $0x4  }
0x2c: {  	v2 =	vmul.f32 v4, v2;
	_ =	sdelay $0x1  }
0x2d: {  	v12 =	vimm.f32 $0.0e+00;
	v14 =	vimm.f32 $0.0e+00;
	v2 =	vadd.f32 v2, v3  }
0x2e: {  	v5 =	vimm.f32 $0.0e+00;
	v6 =	vimm.f32 $0.0e+00;
	v8 =	vimm.f32 $0.0e+00  }
0x2f: {  	s22 =	simm.s32 $0x0;
	s23 =	simm.s32 $0x0;
	v4 =	vimm.f32 $0.0e+00;
	v3 =	vimm.f32 $0.0e+00;
	[tilespmem:s21+$0x8000] =	vst v2;
	v2 =	vimm.f32 $0.0e+00;
	s21 =	sor.u32 $0x280000, s20  }
.LBB2_7:
0x30: {  	s24 =	sshll.u32 s23, $0x13  }
0x31: {  	s25 =	sor.u32 s24, s20  }
0x32: {  	s25 =	sshrl.u32 s25, $0x3  }
0x33: {  	s25 =	sor.u32 $0x48000, s25  }
0x34: {  	s25 =	sadd.s32 s1, s25  }
0x35: {  	[tilespmem:s12], [sflag:$0x2] =	stream.strided.gather [hbm4b:s25+s11], $0x4000, s12, s11, $0x38;
	[tilespmem:$0x8480] =	vst v63  }
0x36: {  	_ =	swait.ge [sflag:s14], $0x4000  }
0x37: {  	[sflag:s14] =	ssyncset.done $0x0  }
0x38: {  	s30 =	simm.s32 $0x80;
	s26 =	sadd.s32 $0x0, s22;
	[sflag:s14] =	ssyncadd.s32 $0xFFFFC000  }
0x39: {  	s28 =	sadd.s32 $0x1, s26;
	v9 =	vld [tilespmem:s30+$0x0]  }
0x3a: {  	v7 =	vmov s26;
	v10 =	vmov s28;
	v11 =	vld [tilespmem:s30+$0x10]  }
0x3b: {  	v7 =	vand.u32 $0xFFFFFFFE, v7;
	v13 =	vld [tilespmem:s30+$0x20]  }
0x3c: {  	v7 =	vbroadcast v7, $0x0;
	v15 =	vld [tilespmem:s30+$0x30]  }
0x3d: {  	v16 =	vld [tilespmem:s30+$0x40]  }
0x3e: {  	v17 =	vld [tilespmem:s30+$0x50]  }
0x3f: {  	v18 =	vld.idx.msk [tilespmem:v10+s9+$0x0], $0xffff  }
0x40: {  	v10 =	vld [tilespmem:s30+$0xFFFFFF80]  }
0x41: {  	s31 =	sadd.s32 $0x2, s22;
	v19 =	vld [tilespmem:s30+$0xFFFFFF90]  }
0x42: {  	v20 =	vmov s31;
	v21 =	vld.idx.msk [tilespmem:v7+s9+$0x0], $0xffff  }
0x43: {  	v7 =	vand.u32 $0xFFFFFFFE, v20;
	v20 =	vld [tilespmem:s30+$0xFFFFFFA0]  }
0x44: {  	v22 =	vld [tilespmem:s30+$0xFFFFFFB0]  }
0x45: {  	v23 =	vld [tilespmem:s30+$0xFFFFFFC0];
	v24 =	vmul.f32 v9, v18  }
0x46: {  	v25 =	vld [tilespmem:s30+$0xFFFFFFD0];
	v11 =	vmul.f32 v11, v18;
	v13 =	vmul.f32 v13, v18  }
0x47: {  	v26 =	vld [tilespmem:s30+$0xFFFFFFE0];
	v27 =	vmul.f32 v16, v18;
	v28 =	vmul.f32 v17, v18  }
0x48: {  	v9 =	vmul.f32 v10, v21;
	v10 =	vmul.f32 v19, v21  }
0x49: {  	v16 =	vld [tilespmem:s30+$0xFFFFFFF0];
	v17 =	vmul.f32 v20, v21;
	v19 =	vmul.f32 v22, v21  }
0x4a: {  	v62 =	vld [tilespmem:s30+$0x70];
	v61 =	vmul.f32 v23, v21;
	v8 =	vadd.f32 v9, v8;
	v6 =	vadd.f32 v10, v6  }
0x4b: {  	s25 =	simm.s32 $0x180;
	v15 =	vmul.f32 v15, v18;
	v20 =	vld [tilespmem:s30+$0x60];
	v5 =	vadd.f32 v17, v5;
	v4 =	vadd.f32 v19, v4  }
0x4c: {  	s26 =	sadd.s32 $0x1, s31;
	v9 =	vld [tilespmem:s25+$0x0];
	v17 =	vmul.f32 v25, v21;
	v19 =	vmul.f32 v26, v21;
	v22 =	vadd.f32 v61, v14  }
0x4d: {  	v10 =	vld [tilespmem:s25+$0x10];
	v8 =	vadd.f32 v24, v8;
	v4 =	vadd.f32 v15, v4;
	v15 =	vmov s26  }
0x4e: {  	v14 =	vld [tilespmem:s25+$0x50];
	v6 =	vadd.f32 v11, v6;
	v5 =	vadd.f32 v13, v5;
	v21 =	vmul.f32 v16, v21  }
0x4f: {  	v7 =	vbroadcast v7, $0x0;
	v11 =	vld [tilespmem:s25+$0x20];
	v63 =	vadd.f32 v17, v12;
	v19 =	vadd.f32 v19, v3  }
0x50: {  	v13 =	vld [tilespmem:s25+$0x30];
	v16 =	vmul.f32 v20, v18;
	v18 =	vmul.f32 v62, v18;
	v17 =	vadd.f32 v21, v2  }
0x51: {  	v12 =	vld [tilespmem:s25+$0x40];
	s26 =	simm.s32 $0x4;
	v3 =	vadd.f32 v28, v63;
	v2 =	vadd.f32 v27, v22  }
.LBB2_8:
0x52: {  	p0 =	sne.s32 s26, $0x7E;
	v20 =	vld.idx.msk [tilespmem:v15+s9+$0x0], $0xffff;
	v19 =	vadd.f32 v16, v19;
	v17 =	vadd.f32 v18, v17  }
0x53: {  	v15 =	vld [tilespmem:s25+$0xFFFFFF80]  }
0x54: {  	s28 =	sadd.s32 s26, s22;
	v16 =	vld [tilespmem:s25+$0xFFFFFF90]  }
0x55: {  	v18 =	vmov s28;
	v21 =	vld.idx.msk [tilespmem:v7+s9+$0x0], $0xffff  }
0x56: {  	v7 =	vand.u32 $0xFFFFFFFE, v18;
	v18 =	vld [tilespmem:s25+$0xFFFFFFA0]  }
0x57: {  	v7 =	vbroadcast v7, $0x0;
	v22 =	vld [tilespmem:s25+$0xFFFFFFB0]  }
0x58: {  	v24 =	vmul.f32 v9, v20;
	v25 =	vmul.f32 v10, v20;
	v23 =	vld [tilespmem:s25+$0xFFFFFFC0]  }
0x59: {  	v26 =	vmul.f32 v11, v20;
	v13 =	vmul.f32 v13, v20;
	v10 =	vld [tilespmem:s25+$0xFFFFFFD0]  }
0x5a: {  	v27 =	vmul.f32 v12, v20;
	v28 =	vmul.f32 v14, v20;
	v11 =	vld [tilespmem:s25+$0xFFFFFFE0]  }
0x5b: {  	s28 =	sadd.s32 $0x1, s28;
	v9 =	vmul.f32 v15, v21;
	v12 =	vmul.f32 v16, v21;
	v14 =	vld [tilespmem:s25+$0xFFFFFFF0]  }
0x5c: {  	v15 =	vmov s28;
	v16 =	vmul.f32 v18, v21;
	v18 =	vmul.f32 v22, v21;
	v22 =	vld [tilespmem:s25+$0x60]  }
0x5d: {  	v8 =	vadd.f32 v9, v8;
	v6 =	vadd.f32 v12, v6;
	v12 =	vmul.f32 v23, v21;
	v23 =	vld [tilespmem:s25+$0x70];
	s25 =	sadd.s32 $0x100, s25  }
0x5e: {  	v5 =	vadd.f32 v16, v5;
	v9 =	vld [tilespmem:s25+$0x0];
	v4 =	vadd.f32 v18, v4;
	v16 =	vmul.f32 v10, v21  }
.Ltmp2:
0x5f: {  	v8 =	vadd.f32 v24, v8;
	v6 =	vadd.f32 v25, v6;
	v10 =	vld [tilespmem:s25+$0x10];
	v18 =	vmul.f32 v11, v21;
	(pc) =	sbr.rel @p0 .LBB2_8-.Ltmp2, $4  }
0x60: {  	v5 =	vadd.f32 v26, v5;
	v11 =	vld [tilespmem:s25+$0x20];
	v14 =	vmul.f32 v14, v21;
	v4 =	vadd.f32 v13, v4  }
0x61: {  	v2 =	vadd.f32 v12, v2;
	v3 =	vadd.f32 v16, v3;
	v13 =	vld [tilespmem:s25+$0x30];
	v16 =	vmul.f32 v22, v20  }
0x62: {  	v19 =	vadd.f32 v18, v19;
	v12 =	vld [tilespmem:s25+$0x40];
	v17 =	vadd.f32 v14, v17;
	v18 =	vmul.f32 v23, v20  }
0x63: {  	s26 =	sadd.s32 $0x2, s26;
	v2 =	vadd.f32 v27, v2;
	v3 =	vadd.f32 v28, v3;
	v14 =	vld [tilespmem:s25+$0x50]  }
0x64: {  	v20 =	vld [tilespmem:s25+$0xFFFFFF80]  }
0x65: {  	v21 =	vld [tilespmem:s25+$0xFFFFFF90]  }
0x66: {  	v22 =	vld [tilespmem:s25+$0xFFFFFFA0]  }
0x67: {  	v23 =	vld [tilespmem:s25+$0xFFFFFFB0]  }
0x68: {  	v24 =	vld [tilespmem:s25+$0xFFFFFFC0]  }
0x69: {  	v25 =	vld [tilespmem:s25+$0xFFFFFFD0]  }
0x6a: {  	v26 =	vld [tilespmem:s25+$0xFFFFFFE0]  }
0x6b: {  	p0 =	seq.s32 s23, $0x3;
	v27 =	vld [tilespmem:s25+$0xFFFFFFF0]  }
0x6c: {  	v28 =	vld [tilespmem:s25+$0x60];
	s24 =	sadd.s32 @!p0 s24, s21  }
0x6d: {  	v29 =	vld [tilespmem:s25+$0x70];
	s25 =	simm.s32 @!p0 $0x400;
	s24 =	sshrl.u32 @!p0 s24, $0x3  }
0x6e: {  	v7 =	vld.idx.msk [tilespmem:v7+s9+$0x0], $0xffff;
	s26 =	simm.s32 @!p0 $0x4000;
	s28 =	simm.s32 @!p0 $0x0;
	s24 =	sadd.s32 @!p0 s1, s24  }
0x6f: {  	v15 =	vld.idx.msk [tilespmem:v15+s9+$0x0], $0xffff;
	[tilespmem:s28], [sflag:$0x1] =	stream.strided.gather @!p0 [hbm4b:s24+s25], $0x4000, s26, s25, $0x38  }
0x70: {  	_ =	swait.ge [sflag:s15], $0x4000  }
0x71: {  	[sflag:s15] =	ssyncset.done $0x0  }
0x72: {  	v16 =	vadd.f32 v16, v19;
	s24 =	simm.s32 $0x4080;
	s28 =	sadd.s32 $0xFFFFFF80, s22;
	[sflag:s15] =	ssyncadd.s32 $0xFFFFC000  }
0x73: {  	v17 =	vadd.f32 v18, v17;
	v18 =	vmul.f32 v20, v7;
	v19 =	vmul.f32 v21, v7;
	s29 =	sadd.s32 $0x100, s28;
	v20 =	vld [tilespmem:s24+$0x0]  }
0x74: {  	s25 =	sadd.s32 $0x101, s28;
	v21 =	vmul.f32 v22, v7;
	v23 =	vmul.f32 v23, v7;
	v22 =	vmov s29;
	v31 =	vld [tilespmem:s24+$0x10]  }
0x75: {  	v30 =	vmov s25;
	v8 =	vadd.f32 v18, v8;
	v18 =	vand.u32 $0xFFFFFFFE, v22;
	v22 =	vld [tilespmem:s24+$0x20]  }
0x76: {  	v9 =	vmul.f32 v9, v15;
	v10 =	vmul.f32 v10, v15;
	v6 =	vadd.f32 v19, v6;
	v19 =	vld [tilespmem:s24+$0x30]  }
0x77: {  	v54 =	vmul.f32 v26, v7;
	v5 =	vadd.f32 v21, v5;
	v18 =	vbroadcast v18, $0x0;
	v21 =	vld [tilespmem:s24+$0x40]  }
0x78: {  	v11 =	vmul.f32 v11, v15;
	v13 =	vmul.f32 v13, v15;
	v4 =	vadd.f32 v23, v4;
	v23 =	vld [tilespmem:s24+$0x50]  }
0x79: {  	v12 =	vmul.f32 v12, v15;
	v14 =	vmul.f32 v14, v15;
	v16 =	vadd.f32 v54, v16;
	v55 =	vld [tilespmem:s24+$0xFFFFFFA0]  }
0x7a: {  	s30 =	sadd.s32 $0xFFFFFF82, s22;
	v9 =	vadd.f32 v9, v8;
	v6 =	vadd.f32 v10, v6;
	v8 =	vmul.f32 v24, v7;
	v53 =	vld.idx.msk [tilespmem:v30+s9+$0x0], $0xffff  }
0x7b: {  	s31 =	sadd.s32 $0x100, s30;
	v10 =	vmul.f32 v25, v7;
	v7 =	vmul.f32 v27, v7;
	v5 =	vadd.f32 v11, v5;
	v11 =	vld [tilespmem:s24+$0xFFFFFF80]  }
0x7c: {  	v4 =	vadd.f32 v13, v4;
	v13 =	vld [tilespmem:s24+$0xFFFFFF90];
	v8 =	vadd.f32 v8, v2;
	v2 =	vmov s31  }
0x7d: {  	v3 =	vadd.f32 v10, v3;
	v10 =	vmul.f32 v28, v15;
	v2 =	vand.u32 $0xFFFFFFFE, v2;
	v18 =	vld.idx.msk [tilespmem:v18+s9+$0x0], $0xffff  }
0x7e: {  	v56 =	vld [tilespmem:s24+$0xFFFFFFB0];
	v17 =	vadd.f32 v7, v17;
	v15 =	vmul.f32 v29, v15;
	v2 =	vbroadcast v2, $0x0  }
0x7f: {  	v57 =	vadd.f32 v12, v8;
	v12 =	vld [tilespmem:s24+$0xFFFFFFC0];
	v20 =	vmul.f32 v20, v53;
	v58 =	vmul.f32 v31, v53  }
0x80: {  	v14 =	vadd.f32 v14, v3;
	v3 =	vld [tilespmem:s24+$0xFFFFFFD0];
	v22 =	vmul.f32 v22, v53;
	v19 =	vmul.f32 v19, v53  }
0x81: {  	v59 =	vld [tilespmem:s24+$0xFFFFFFE0];
	v16 =	vadd.f32 v10, v16;
	v8 =	vmul.f32 v21, v53;
	v7 =	vmul.f32 v23, v53  }
0x82: {  	s25 =	sadd.s32 $0x101, s30;
	v21 =	vadd.f32 v15, v17;
	v15 =	vld [tilespmem:s24+$0xFFFFFFF0];
	v11 =	vmul.f32 v11, v18;
	v13 =	vmul.f32 v13, v18  }
0x83: {  	v60 =	vld [tilespmem:s24+$0x60];
	v10 =	vmov s25;
	v17 =	vmul.f32 v55, v18;
	v23 =	vmul.f32 v56, v18  }
0x84: {  	v63 =	vld [tilespmem:s24+$0x70];
	s24 =	simm.s32 $0x4180;
	v62 =	vmul.f32 v12, v18;
	v61 =	vadd.f32 v11, v9;
	v6 =	vadd.f32 v13, v6  }
0x85: {  	v12 =	vld [tilespmem:s24+$0x20];
	v13 =	vadd.f32 v17, v5;
	v4 =	vadd.f32 v23, v4;
	v17 =	vmul.f32 v3, v18  }
0x86: {  	v9 =	vld [tilespmem:s24+$0x0];
	v23 =	vmul.f32 v59, v18;
	v5 =	vadd.f32 v20, v61;
	v6 =	vadd.f32 v58, v6  }
0x87: {  	v11 =	vld [tilespmem:s24+$0x10];
	v18 =	vmul.f32 v15, v18;
	v3 =	vadd.f32 v22, v13;
	v4 =	vadd.f32 v19, v4  }
0x88: {  	v15 =	vmul.f32 v60, v53;
	v13 =	vld [tilespmem:s24+$0x30];
	v20 =	vadd.f32 v62, v57;
	v17 =	vadd.f32 v17, v14  }
0x89: {  	s25 =	simm.s32 $0xFFFFFF84;
	v14 =	vld [tilespmem:s24+$0x40];
	v19 =	vadd.f32 v23, v16;
	v16 =	vadd.f32 v18, v21;
	v18 =	vmul.f32 v63, v53  }
.LBB2_10:
0x8a: {  	p0 =	sne.s32 s25, $0xFFFFFFFE;
	v21 =	vld [tilespmem:s24+$0x50];
	v20 =	vadd.f32 v8, v20;
	v17 =	vadd.f32 v7, v17  }
0x8b: {  	v22 =	vld.idx.msk [tilespmem:v10+s9+$0x0], $0xffff;
	v19 =	vadd.f32 v15, v19;
	v16 =	vadd.f32 v18, v16  }
0x8c: {  	s26 =	sadd.s32 s25, s22;
	v10 =	vld [tilespmem:s24+$0xFFFFFF80]  }
0x8d: {  	s28 =	sadd.s32 $0x100, s26;
	v15 =	vld [tilespmem:s24+$0xFFFFFF90]  }
0x8e: {  	v7 =	vmov s28;
	v18 =	vld.idx.msk [tilespmem:v2+s9+$0x0], $0xffff  }
0x8f: {  	v2 =	vand.u32 $0xFFFFFFFE, v7;
	v23 =	vld [tilespmem:s24+$0xFFFFFFA0]  }
0x90: {  	v2 =	vbroadcast v2, $0x0;
	v24 =	vld [tilespmem:s24+$0xFFFFFFB0]  }
0x91: {  	v26 =	vmul.f32 v9, v22;
	v27 =	vmul.f32 v11, v22;
	v25 =	vld [tilespmem:s24+$0xFFFFFFC0]  }
0x92: {  	v28 =	vmul.f32 v12, v22;
	v13 =	vmul.f32 v13, v22;
	v11 =	vld [tilespmem:s24+$0xFFFFFFD0]  }
0x93: {  	v8 =	vmul.f32 v14, v22;
	v7 =	vmul.f32 v21, v22;
	v12 =	vld [tilespmem:s24+$0xFFFFFFE0]  }
0x94: {  	s26 =	sadd.s32 $0x101, s26;
	v9 =	vmul.f32 v10, v18;
	v14 =	vmul.f32 v15, v18;
	v15 =	vld [tilespmem:s24+$0xFFFFFFF0]  }
0x95: {  	v10 =	vmov s26;
	v21 =	vmul.f32 v23, v18;
	v23 =	vmul.f32 v24, v18;
	v24 =	vld [tilespmem:s24+$0x60]  }
0x96: {  	v5 =	vadd.f32 v9, v5;
	v6 =	vadd.f32 v14, v6;
	v14 =	vmul.f32 v25, v18;
	v25 =	vld [tilespmem:s24+$0x70];
	s24 =	sadd.s32 $0x100, s24  }
.Ltmp3:
0x97: {  	v3 =	vadd.f32 v21, v3;
	v9 =	vld [tilespmem:s24+$0x0];
	v4 =	vadd.f32 v23, v4;
	v21 =	vmul.f32 v11, v18;
	(pc) =	sbr.rel @p0 .LBB2_10-.Ltmp3, $4  }
0x98: {  	v5 =	vadd.f32 v26, v5;
	v6 =	vadd.f32 v27, v6;
	v11 =	vld [tilespmem:s24+$0x10];
	v23 =	vmul.f32 v12, v18  }
0x99: {  	v3 =	vadd.f32 v28, v3;
	v12 =	vld [tilespmem:s24+$0x20];
	v18 =	vmul.f32 v15, v18;
	v4 =	vadd.f32 v13, v4  }
0x9a: {  	v20 =	vadd.f32 v14, v20;
	v17 =	vadd.f32 v21, v17;
	v13 =	vld [tilespmem:s24+$0x30];
	v15 =	vmul.f32 v24, v22  }
0x9b: {  	s25 =	sadd.s32 $0x2, s25;
	v19 =	vadd.f32 v23, v19;
	v14 =	vld [tilespmem:s24+$0x40];
	v16 =	vadd.f32 v18, v16;
	v18 =	vmul.f32 v25, v22  }
0x9c: {  	_ =	sdelay $0x3  }
0x9d: {  	v10 =	vld.idx.msk [tilespmem:v10+s9+$0x0], $0xffff  }
0x9e: {  	v22 =	vld [tilespmem:s24+$0xFFFFFF80]  }
0x9f: {  	v23 =	vld [tilespmem:s24+$0xFFFFFF90]  }
0xa0: {  	v2 =	vld.idx.msk [tilespmem:v2+s9+$0x0], $0xffff  }
0xa1: {  	v24 =	vld [tilespmem:s24+$0xFFFFFFA0]  }
0xa2: {  	v25 =	vld [tilespmem:s24+$0xFFFFFFB0]  }
0xa3: {  	v26 =	vld [tilespmem:s24+$0xFFFFFFC0]  }
0xa4: {  	v20 =	vadd.f32 v8, v20;
	v8 =	vld [tilespmem:s24+$0xFFFFFFD0]  }
0xa5: {  	v54 =	vld [tilespmem:s24+$0xFFFFFFE0]  }
0xa6: {  	v57 =	vld [tilespmem:s24+$0xFFFFFFF0];
	v9 =	vmul.f32 v9, v10  }
0xa7: {  	v7 =	vadd.f32 v7, v17;
	v11 =	vmul.f32 v11, v10;
	v55 =	vmul.f32 v22, v2  }
0xa8: {  	v15 =	vadd.f32 v15, v19;
	v56 =	vmul.f32 v23, v2;
	v58 =	vmul.f32 v24, v2  }
0xa9: {  	v21 =	vld [tilespmem:s24+$0x50];
	v16 =	vadd.f32 v18, v16;
	v59 =	vmul.f32 v25, v2;
	v61 =	vmul.f32 v26, v2  }
0xaa: {  	v60 =	vld [tilespmem:s24+$0x60];
	v63 =	vmul.f32 v8, v2;
	v17 =	vmul.f32 v54, v2;
	v5 =	vadd.f32 v55, v5  }
0xab: {  	v62 =	vld [tilespmem:s24+$0x70];
	v2 =	vmul.f32 v57, v2;
	v6 =	vadd.f32 v56, v6;
	v3 =	vadd.f32 v58, v3  }
0xac: {  	s23 =	sadd.s32 $0x1, s23;
	v12 =	vmul.f32 v12, v10;
	v4 =	vadd.f32 v59, v4;
	v7 =	vadd.f32 v63, v7  }
0xad: {  	p0 =	sne.s32 s23, $0x4;
	v13 =	vmul.f32 v13, v10;
	v2 =	vadd.f32 v2, v16;
	v8 =	vadd.f32 v9, v5  }
.Ltmp4:
0xae: {  	v14 =	vmul.f32 v14, v10;
	v6 =	vadd.f32 v11, v6;
	v5 =	vadd.f32 v12, v3;
	(pc) =	sbr.rel @p0 .LBB2_7-.Ltmp4, $4  }
0xaf: {  	v21 =	vmul.f32 v21, v10;
	v4 =	vadd.f32 v13, v4;
	v3 =	vadd.f32 v61, v20  }
0xb0: {  	v9 =	vmul.f32 v60, v10;
	v11 =	vadd.f32 v17, v15;
	v10 =	vmul.f32 v62, v10  }
0xb1: {  	v12 =	vadd.f32 v21, v7;
	v14 =	vadd.f32 v14, v3  }
0xb2: {  	s22 =	sadd.s32 $0x100, s22;
	v3 =	vadd.f32 v9, v11;
	v2 =	vadd.f32 v10, v2  }
0xb3: {  	[tilespmem:$0x8400] =	vst v8  }
0xb4: {  	[tilespmem:$0x8410] =	vst v6  }
0xb5: {  	[tilespmem:$0x8420] =	vst v5  }
0xb6: {  	[tilespmem:$0x8430] =	vst v4  }
0xb7: {  	[tilespmem:$0x8440] =	vst v14  }
0xb8: {  	[tilespmem:$0x8450] =	vst v12;
	s19 =	sshll.u32 s19, $0x4;
	s17 =	sadd.s32 $0x1, s17  }
0xb9: {  	s18 =	sshll.u32 s18, $0x7;
	[tilespmem:$0x8460] =	vst v3;
	s19 =	sadd.s32 s4, s19;
	p0 =	sne.s32 s17, $0x3  }
.Ltmp5:
0xba: {  	[tilespmem:$0x8470] =	vst v2;
	s18 =	sadd.s32 s18, s19;
	(pc) =	sbr.rel @p0 .LBB2_2-.Ltmp5, $4  }
0xbb: {  	[hbm4b:s18+s3] =	stream.linear.scatter [tilespmem:s13], [sflag:$0x3], $0x80, $0x38;
	[tilespmem:$0x8480] =	vst v63  }
0xbc: {  	_ =	swait.ge [sflag:s10], $0x80  }
0xbd: {  	[sflag:s10] =	ssyncset.done $0x0  }
0xbe: {  	[sflag:s10] =	ssyncadd.s32 $0xFFFFFF80  }
0xbf: {  	s16 =	sadd.s32 $0x1, s16  }
0xc0: {  	p0 =	sne.s32 s16, s8  }
.Ltmp6:
0xc1: {  	_ = 	snop;
	(pc) =	sbr.rel @p0 .LBB2_1-.Ltmp6, $1  }
0xc2: {  	_ =	sdelay $0x3  }
0xc3: {  	_ =	sfence.sel $0x180000  }
0xc4: {  	[bflag:$0x0] =	sbarrier.arrive $0xFFFF  }
0xc5: {  	p0 =	sne.s32 s2, $0x0;
	_ =	strace $0x90000047  }
0xc6: {  	s0 =	sadd.s32 @!p0 $0x100000, s0;
	[bflag:$0x2] =	sbarrier.arrive $0xFFFF  }
0xc7: {  	[sflag:s0] =	ssyncadd.tile.s32 @!p0 $0x1;
	_ =	shalt  }
.Lfunc_end2:
_tile_overlayer_lowered:
.L_overlay_start_2:
0xc8: {  	(tag) =	ssettag $0x2  }
0xc9: {  	s0 =	rddreg [dreg:$0x0];
	s2 =	stileid.u32  }
0xca: {  	s1 =	rddreg [dreg:$0x1];
	p0 =	sne.s32 s2, $0x0  }
0xcb: {  	s3 =	rddreg [dreg:$0x2];
	[bflag:$0x3] =	sbarrier.arrive $0xFFFF;
	s2 =	simm.s32 @!p0 $0x1C04  }
0xcc: {  	[timem:s3], [sflag:s2] =	dma.local @!p0 [hbm:s0], s1  }
0xcd: {  	s0 =	simm.s32 @!p0 $0x4  }
0xce: {  	_ =	swait.ge @!p0 [sflag:s0], s1  }
0xcf: {  	s1 =	ssub.s32 @!p0 $0x0, s1;
	[sflag:s0] =	ssyncset.done @!p0 $0x0  }
0xd0: {  	[sflag:s0] =	ssyncadd.s32 @!p0 s1  }
0xd1: {  	[bflag:$0x3] =	sbarrier.arrive $0xFFFF  }
0xd2: {  	_ =	shalt  }

</sc_bundles>
